<compile_context>
chip_gen: v7x
topology: tpu7x:2x2x1
jax: 0.10.2.dev20260603
libtpu: 0.0.44.dev20260713+nightly
codegen_flags: <defaults>
</compile_context>

<pallas_src>
import dataclasses

import jax
import jax.numpy as jnp
from jax import lax
from jax.experimental import pallas as pl
from jax.experimental.pallas import tpu as pltpu
from jax.experimental.pallas import tpu_sc as plsc

SEQ = 1000000
NM = 6
NMATCH = 50000
PLEN = 31
HALF = 15

PAD = 1048576
NC, NS = 2, 16
NW = NC * NS
SEG = PAD // NW
CHUNKI = 3968
NFULL = 12
TAIL = NMATCH - NFULL * CHUNKI


@jax.jit
def _sc_scatter(pos, probs):

    mesh = plsc.VectorSubcoreMesh(
        core_axis_name="c", subcore_axis_name="s",
        num_cores=NC, num_subcores=NS)

    @pl.kernel(
        out_type=[jax.ShapeDtypeStruct((1024, 1024), jnp.float32),
                  jax.ShapeDtypeStruct((NW, 16), jnp.float32)],
        mesh=mesh,
        scratch_types=[
            pltpu.VMEM((SEG,), jnp.float32),
            pltpu.VMEM((2, CHUNKI), jnp.int32),
            pltpu.VMEM((TAIL,), jnp.int32),
            pltpu.VMEM((NM, 16), jnp.float32),
            pltpu.VMEM((1, 16), jnp.float32),
            pltpu.SemaphoreType.DMA,
            pltpu.SemaphoreType.DMA,
            pltpu.SemaphoreType.DMA,
        ],
        compiler_params=dataclasses.replace(
            pltpu.CompilerParams(), needs_layout_passes=False),
    )
    def body(pos_hbm, probs_hbm, out_hbm, psum_hbm, seg, ibuf, tbuf, pbuf,
             abuf, sem0, sem1, sem2):
        c = lax.axis_index("c")
        s = lax.axis_index("s")
        wid = c * NS + s
        base = wid * SEG
        lo = jnp.zeros((16,), jnp.int32) + base
        seg_u = jnp.full((16,), SEG, jnp.uint32)
        zero16 = jnp.zeros((16,), jnp.float32)

        pltpu.async_copy(probs_hbm, pbuf, sem1)

        @plsc.parallel_loop(0, SEG, step=128, unroll=2)
        def _(j):
            for t in range(8):
                seg[pl.ds(j + t * 16, 16)] = zero16

        pltpu.make_async_copy(probs_hbm, pbuf, sem1).wait()

        @pl.loop(0, NM)
        def _(i):
            pv = pbuf[i, :]

            def chunk_ref(k, i=i):
                return pos_hbm.at[i, pl.ds(k * CHUNKI, CHUNKI)]

            def scat(slot, j, off, pv=pv):
                lv = ibuf[slot, pl.ds(j + off, 16)] - lo
                keep = plsc.bitcast(lv, jnp.uint32) < seg_u
                plsc.store_scatter(seg, [lv], pv, mask=keep)

            def process(slot, pv=pv):
                @plsc.parallel_loop(0, CHUNKI, step=128, unroll=2)
                def _(j):
                    for t in range(8):
                        scat(slot, j, t * 16)

            def scat_t(j, off, pv=pv):
                lv = tbuf[pl.ds(j + off, 16)] - lo
                keep = plsc.bitcast(lv, jnp.uint32) < seg_u
                plsc.store_scatter(seg, [lv], pv, mask=keep)

            tail_ref = pos_hbm.at[i, pl.ds(NFULL * CHUNKI, TAIL)]

            pltpu.async_copy(chunk_ref(0), ibuf.at[0], sem0)
            pltpu.async_copy(tail_ref, tbuf, sem2)

            @pl.loop(0, NFULL, step=2)
            def _(k):
                pltpu.async_copy(chunk_ref(k + 1), ibuf.at[1], sem1)
                pltpu.make_async_copy(chunk_ref(k), ibuf.at[0], sem0).wait()
                process(0)

                @pl.when(k + 2 < NFULL)
                def _():
                    pltpu.async_copy(chunk_ref(k + 2), ibuf.at[0], sem0)

                pltpu.make_async_copy(chunk_ref(k + 1), ibuf.at[1],
                                      sem1).wait()
                process(1)

            pltpu.make_async_copy(tail_ref, tbuf, sem2).wait()

            @plsc.parallel_loop(0, TAIL - TAIL % 128, step=128, unroll=2)
            def _(j):
                for t in range(8):
                    scat_t(j, t * 16)

            for t in range(TAIL % 128 // 16):
                scat_t(TAIL - TAIL % 128, t * 16)

        @pl.loop(0, SEG // 1024)
        def _(r):
            pltpu.async_copy(seg.at[pl.ds(r * 1024, 1024)],
                             out_hbm.at[wid * (SEG // 1024) + r], sem0)

        def sum_step(j, accs):
            a0, a1 = accs
            a0 = a0 + seg[pl.ds(j, 16)] + seg[pl.ds(j + 32, 16)]
            a1 = a1 + seg[pl.ds(j + 16, 16)] + seg[pl.ds(j + 48, 16)]
            return a0, a1

        a0, a1 = lax.fori_loop(
            0, SEG // 64, lambda t, accs: sum_step(t * 64, accs),
            (zero16, zero16))
        abuf[0, :] = a0 + a1
        pltpu.sync_copy(abuf.at[0], psum_hbm.at[wid])

        @pl.loop(0, SEG // 1024)
        def _(r):
            pltpu.make_async_copy(seg.at[pl.ds(r * 1024, 1024)],
                                  out_hbm.at[wid * (SEG // 1024) + r],
                                  sem0).wait()

    return body(pos, probs)


NB = 4
BR = 1024 // NB


def _dense_body(cur_ref, prev_ref, next_ref, head_ref, tail_ref, psum_ref,
                w_ref, prof_ref, rp_ref, sp_ref, out1_ref, out2_ref):
    i = pl.program_id(0)
    cur = cur_ref[...]

    row_above = prev_ref[7:8, :]
    row_above = jnp.where(i == 0, jnp.float32(0.0), row_above)
    row_below = next_ref[0:1, :]
    up = jnp.concatenate([row_above, cur[:-1, :]], axis=0)
    down = jnp.concatenate([cur[1:, :], row_below], axis=0)
    ext = jnp.concatenate(
        [up[:, 1024 - HALF:], cur, down[:, :HALF],
         jnp.zeros((BR, 1152 - 1024 - 2 * HALF), jnp.float32)],
        axis=1).astype(jnp.bfloat16)

    psum = jnp.float32(0.0)
    for k in range(PLEN):
        psum = psum + prof_ref[k]

    w = w_ref[...]
    lp_tiles = []
    for t in range(1024 // 128):
        win = lax.slice(ext, (0, t * 128), (BR, t * 128 + 256))
        lp_tiles.append(jnp.dot(win, w, preferred_element_type=jnp.float32))
    lp = jnp.concatenate(lp_tiles, axis=1)

    s_val = jnp.sum(psum_ref[...])
    corr_term = jnp.float32(0.0)
    for k in range(HALF):
        suf = jnp.sum(lax.slice(tail_ref[...], (0, 576 - (HALF - k)), (1, 576)))
        corr_term = corr_term + prof_ref[k] * suf
    for k in range(HALF + 1, PLEN):
        pre = jnp.sum(lax.slice(head_ref[...], (0, 0), (1, k - HALF)))
        corr_term = corr_term + prof_ref[k] * pre
    c_val = psum * s_val - corr_term

    rp = rp_ref[0]
    sp = sp_ref[0]
    inv_norm = jnp.where(c_val > 0, 1.0 / c_val, 1.0 / s_val)
    a = (rp + (1.0 - rp) * sp) / s_val
    b = (1.0 - rp) * (1.0 - sp) * inv_norm

    out1_ref[...] = a * cur + b * lp
    out2_ref[...] = jnp.where(cur > 0, rp, jnp.float32(0.0))


@jax.jit
def _tc_dense(u2d, psum, profile, rp, sp):
    r = jnp.arange(256, dtype=jnp.int32)[:, None]
    c = jnp.arange(128, dtype=jnp.int32)[None, :]
    kd = r - c
    wmat = jnp.zeros((256, 128), jnp.float32)
    for k in range(PLEN):
        wmat = wmat + jnp.where(kd == k, profile[k], jnp.float32(0.0))
    wmat = wmat.astype(jnp.bfloat16)

    out1, out2 = pl.pallas_call(
        _dense_body,
        grid=(NB,),
        in_specs=[
            pl.BlockSpec((BR, 1024), lambda i: (i, 0)),
            pl.BlockSpec((8, 1024),
                         lambda i: (jnp.maximum(i * (BR // 8) - 1, 0), 0)),
            pl.BlockSpec((8, 1024),
                         lambda i: (jnp.minimum((i + 1) * (BR // 8), 127), 0)),
            pl.BlockSpec((8, 1024), lambda i: (0, 0)),
            pl.BlockSpec((8, 1024), lambda i: (122, 0)),
            pl.BlockSpec((NW, 16), lambda i: (0, 0)),
            pl.BlockSpec((256, 128), lambda i: (0, 0)),
            pl.BlockSpec(memory_space=pltpu.SMEM),
            pl.BlockSpec(memory_space=pltpu.SMEM),
            pl.BlockSpec(memory_space=pltpu.SMEM),
        ],
        out_specs=[
            pl.BlockSpec((BR, 1024), lambda i: (i, 0)),
            pl.BlockSpec((BR, 1024), lambda i: (i, 0)),
        ],
        out_shape=[
            jax.ShapeDtypeStruct((1024, 1024), jnp.float32),
            jax.ShapeDtypeStruct((1024, 1024), jnp.float32),
        ],
    )(u2d, u2d, u2d, u2d, u2d, psum, wmat, profile, rp, sp)
    return out1, out2


def kernel(positions, motifs_prob, profile, replication_prob, short_patch_ber_prob):
    probs_b = jnp.broadcast_to(motifs_prob[:, None], (NM, 16))

    u, psum = _sc_scatter(positions, probs_b)
    out1, out2 = _tc_dense(u, psum, profile,
                           replication_prob, short_patch_ber_prob)
    return (out1.reshape(-1)[:SEQ], out2.reshape(-1)[:SEQ])

# --- scband reference (transcript-rebuilt; emitter-appended) ---
"""Pipeline reference for scband-two-phase-model-39591008535064 (READ-ONLY COPY).

The authoritative reference and input builder live on the scoring server;
editing this copy changes nothing except your own understanding.
"""

import jax, jax.numpy as jnp
import numpy as np

SEQ_LEN = 1000000
N_MOTIFS = 6
N_MATCHES = 50000
PROFILE_LEN = 31


def setup_inputs(seed: int = 0) -> dict:
    key = jax.random.key(seed)
    k1, k2, k3, k4, k5 = jax.random.split(key, 5)
    # regex match positions for each motif, precomputed (string regex is not tensorizable)
    positions = jax.random.randint(k1, (N_MOTIFS, N_MATCHES), 0, SEQ_LEN, dtype=jnp.int32)
    # Phase1 learned per-motif probabilities (normalized at init, as in torch __init__)
    motifs_prob = jax.random.uniform(k2, (N_MOTIFS,), dtype=jnp.float32)
    motifs_prob = motifs_prob / motifs_prob.sum()
    # LongPatchBer learned profile (normalized at init)
    profile = jax.random.uniform(k3, (PROFILE_LEN,), dtype=jnp.float32)
    profile = profile / profile.sum()
    replication_prob = jax.random.uniform(k4, (1,), dtype=jnp.float32)
    short_patch_ber_prob = jax.random.uniform(k5, (1,), dtype=jnp.float32)
    return {
        'positions': positions,
        'motifs_prob': motifs_prob,
        'profile': profile,
        'replication_prob': replication_prob,
        'short_patch_ber_prob': short_patch_ber_prob,
    }


def reference(positions, motifs_prob, profile, replication_prob, short_patch_ber_prob):
    # ---- Phase1: scatter-overwrite motif probs at matched positions ----
    targeting_probs = jnp.zeros(SEQ_LEN, dtype=jnp.float32)
    for i in range(N_MOTIFS):
        # torch: targeting_probs[positions] = prob  (later motifs overwrite earlier)
        targeting_probs = targeting_probs.at[positions[i]].set(motifs_prob[i])
    targeting_probs = targeting_probs / targeting_probs.sum()
    tp1 = targeting_probs

    # ---- Phase2 ----
    rp = replication_prob[0]
    sp = short_patch_ber_prob[0]
    ung_p = jnp.float32(1.0)  # ung_prob, requires_grad=False constant

    replication_probs = tp1 * rp
    error_prone_repair_probs = tp1 * (1.0 - rp)
    ung_probs = error_prone_repair_probs * ung_p
    short_patch_ber_probs = ung_probs * sp

    # LongPatchBer: conv1d(padding='same') == cross-correlation with profile
    lp_centers = ung_probs * (1.0 - sp)
    prof_len = profile.shape[0]
    half = (prof_len - 1) // 2
    padded = jnp.pad(lp_centers, (half, half))
    lp = jnp.zeros(SEQ_LEN, dtype=jnp.float32)
    for i in range(prof_len):
        lp = lp + profile[i] * jax.lax.slice(padded, (i,), (i + SEQ_LEN,))
    lp_sum = lp.sum()
    lp = jnp.where(lp_sum > 0, lp / lp_sum * lp_centers.sum(), lp)

    mmr_probs = error_prone_repair_probs * (1.0 - ung_p)
    targeting_out = replication_probs + mmr_probs + short_patch_ber_probs + lp

    # replication_probs output: zeros, then masked overwrite with scalar rp
    rep_out = jnp.where(tp1 > 0, rp, jnp.float32(0.0)).astype(jnp.float32)
    return (targeting_out, rep_out)

if __name__ == "__main__":
    import jax
    _d = setup_inputs()
    print(jax.jit(kernel)(*tuple(_d.values())))

</pallas_src>

<mosaic_0001>
#map = affine_map<(d0, d1) -> (0, 0)>
module attributes {stable_mosaic.version = 14 : i64} {
  func.func @body(%arg0: i32, %arg1: i32, %arg2: memref<6x50000xi32, #tpu.memory_space<hbm>>, %arg3: memref<6x16xf32, #tpu.memory_space<hbm>>, %arg4: memref<1024x1024xf32, #tpu.memory_space<hbm>>, %arg5: memref<32x16xf32, #tpu.memory_space<hbm>>, %arg6: memref<32768xf32, #tpu.memory_space<vmem>>, %arg7: memref<2x3968xi32, #tpu.memory_space<vmem>>, %arg8: memref<2384xi32, #tpu.memory_space<vmem>>, %arg9: memref<6x16xf32, #tpu.memory_space<vmem>>, %arg10: memref<1x16xf32, #tpu.memory_space<vmem>>, %arg11: memref<!tpu.dma_semaphore, #tpu.memory_space<semaphore_mem>>, %arg12: memref<!tpu.dma_semaphore, #tpu.memory_space<semaphore_mem>>, %arg13: memref<!tpu.dma_semaphore, #tpu.memory_space<semaphore_mem>>) attributes {dimension_semantics = [#tpu.dimension_semantics<core_parallel>, #tpu.dimension_semantics<subcore_parallel>], iteration_bounds = array<i64: 2, 16>, scalar_prefetch = 0 : i64, scratch_operands = 8 : i64, tpu.core_type = #tpu.core_type<sc_vector_subcore>, window_params = [{transform_indices = #map}, {transform_indices = #map}, {transform_indices = #map}, {transform_indices = #map}]} {
    %mul3A = arith.constant 16 : i32
    %mul3A_0 = arith.muli %arg0, %mul3A : i32
    %add3A = arith.addi %mul3A_0, %arg1 : i32
    %mul3A_1 = arith.constant 32768 : i32
    %mul3A_2 = arith.muli %add3A, %mul3A_1 : i32
    %broadcast_in_dim3A = arith.constant 0 : i32
    %broadcast_in_dim3A_3 = vector.broadcast %broadcast_in_dim3A : i32 to vector<16xi32>
    %add3A_4 = vector.broadcast %mul3A_2 : i32 to vector<16xi32>
    %add3A_5 = arith.addi %broadcast_in_dim3A_3, %add3A_4 : vector<16xi32>
    %broadcast_in_dim3A_6 = arith.constant 32768 : i32
    %broadcast_in_dim3A_7 = vector.broadcast %broadcast_in_dim3A_6 : i32 to vector<16xi32>
    %broadcast_in_dim3A_8 = arith.constant 0.000000e+00 : f32
    %broadcast_in_dim3A_9 = vector.broadcast %broadcast_in_dim3A_8 : f32 to vector<16xf32>
    tpu.enqueue_dma source(%arg3 : memref<6x16xf32, #tpu.memory_space<hbm>>) target(%arg9 : memref<6x16xf32, #tpu.memory_space<vmem>>) target_semaphore(%arg12 : memref<!tpu.dma_semaphore, #tpu.memory_space<semaphore_mem>>)
    %parallel_loop3A = arith.constant 0 : i32
    %parallel_loop3A_10 = arith.constant 32768 : i32
    %parallel_loop3A_11 = arith.constant 128 : i32
    scf.for %parallel_loop3A_36 = %parallel_loop3A to %parallel_loop3A_10 step %parallel_loop3A_11  : i32 {
      %parallel_loop3A_37 = arith.constant 0 : i32
      %parallel_loop3A_38 = arith.addi %parallel_loop3A_36, %parallel_loop3A_37 : i32
      %parallel_loop3A_39 = arith.index_cast %parallel_loop3A_38 : i32 to index
      %parallel_loop3A_40 = tpu.vector_load %arg6[%parallel_loop3A_39] {strides = array<i32>} : memref<32768xf32, #tpu.memory_space<vmem>>, vector<16xf32>,
      tpu.vector_store %arg6[%parallel_loop3A_39], %broadcast_in_dim3A_9 {strides = array<i32>} : memref<32768xf32, #tpu.memory_space<vmem>>, vector<16xf32>,
      %parallel_loop3A_41 = arith.constant 16 : i32
      %parallel_loop3A_42 = arith.addi %parallel_loop3A_36, %parallel_loop3A_41 : i32
      %parallel_loop3A_43 = arith.index_cast %parallel_loop3A_42 : i32 to index
      %parallel_loop3A_44 = tpu.vector_load %arg6[%parallel_loop3A_43] {strides = array<i32>} : memref<32768xf32, #tpu.memory_space<vmem>>, vector<16xf32>,
      tpu.vector_store %arg6[%parallel_loop3A_43], %broadcast_in_dim3A_9 {strides = array<i32>} : memref<32768xf32, #tpu.memory_space<vmem>>, vector<16xf32>,
      %parallel_loop3A_45 = arith.constant 32 : i32
      %parallel_loop3A_46 = arith.addi %parallel_loop3A_36, %parallel_loop3A_45 : i32
      %parallel_loop3A_47 = arith.index_cast %parallel_loop3A_46 : i32 to index
      %parallel_loop3A_48 = tpu.vector_load %arg6[%parallel_loop3A_47] {strides = array<i32>} : memref<32768xf32, #tpu.memory_space<vmem>>, vector<16xf32>,
      tpu.vector_store %arg6[%parallel_loop3A_47], %broadcast_in_dim3A_9 {strides = array<i32>} : memref<32768xf32, #tpu.memory_space<vmem>>, vector<16xf32>,
      %parallel_loop3A_49 = arith.constant 48 : i32
      %parallel_loop3A_50 = arith.addi %parallel_loop3A_36, %parallel_loop3A_49 : i32
      %parallel_loop3A_51 = arith.index_cast %parallel_loop3A_50 : i32 to index
      %parallel_loop3A_52 = tpu.vector_load %arg6[%parallel_loop3A_51] {strides = array<i32>} : memref<32768xf32, #tpu.memory_space<vmem>>, vector<16xf32>,
      tpu.vector_store %arg6[%parallel_loop3A_51], %broadcast_in_dim3A_9 {strides = array<i32>} : memref<32768xf32, #tpu.memory_space<vmem>>, vector<16xf32>,
      %parallel_loop3A_53 = arith.constant 64 : i32
      %parallel_loop3A_54 = arith.addi %parallel_loop3A_36, %parallel_loop3A_53 : i32
      %parallel_loop3A_55 = arith.index_cast %parallel_loop3A_54 : i32 to index
      %parallel_loop3A_56 = tpu.vector_load %arg6[%parallel_loop3A_55] {strides = array<i32>} : memref<32768xf32, #tpu.memory_space<vmem>>, vector<16xf32>,
      tpu.vector_store %arg6[%parallel_loop3A_55], %broadcast_in_dim3A_9 {strides = array<i32>} : memref<32768xf32, #tpu.memory_space<vmem>>, vector<16xf32>,
      %parallel_loop3A_57 = arith.constant 80 : i32
      %parallel_loop3A_58 = arith.addi %parallel_loop3A_36, %parallel_loop3A_57 : i32
      %parallel_loop3A_59 = arith.index_cast %parallel_loop3A_58 : i32 to index
      %parallel_loop3A_60 = tpu.vector_load %arg6[%parallel_loop3A_59] {strides = array<i32>} : memref<32768xf32, #tpu.memory_space<vmem>>, vector<16xf32>,
      tpu.vector_store %arg6[%parallel_loop3A_59], %broadcast_in_dim3A_9 {strides = array<i32>} : memref<32768xf32, #tpu.memory_space<vmem>>, vector<16xf32>,
      %parallel_loop3A_61 = arith.constant 96 : i32
      %parallel_loop3A_62 = arith.addi %parallel_loop3A_36, %parallel_loop3A_61 : i32
      %parallel_loop3A_63 = arith.index_cast %parallel_loop3A_62 : i32 to index
      %parallel_loop3A_64 = tpu.vector_load %arg6[%parallel_loop3A_63] {strides = array<i32>} : memref<32768xf32, #tpu.memory_space<vmem>>, vector<16xf32>,
      tpu.vector_store %arg6[%parallel_loop3A_63], %broadcast_in_dim3A_9 {strides = array<i32>} : memref<32768xf32, #tpu.memory_space<vmem>>, vector<16xf32>,
      %parallel_loop3A_65 = arith.constant 112 : i32
      %parallel_loop3A_66 = arith.addi %parallel_loop3A_36, %parallel_loop3A_65 : i32
      %parallel_loop3A_67 = arith.index_cast %parallel_loop3A_66 : i32 to index
      %parallel_loop3A_68 = tpu.vector_load %arg6[%parallel_loop3A_67] {strides = array<i32>} : memref<32768xf32, #tpu.memory_space<vmem>>, vector<16xf32>,
      tpu.vector_store %arg6[%parallel_loop3A_67], %broadcast_in_dim3A_9 {strides = array<i32>} : memref<32768xf32, #tpu.memory_space<vmem>>, vector<16xf32>,
    } {sc.loop_unroll_factor = 2 : i64, sc.parallel_access}
    tpu.wait_dma2 semaphore(%arg12 : memref<!tpu.dma_semaphore, #tpu.memory_space<semaphore_mem>>) src(%arg3 : memref<6x16xf32, #tpu.memory_space<hbm>>) dst(%arg9 : memref<6x16xf32, #tpu.memory_space<vmem>>)
    %scan3A = arith.constant 0 : i32
    %scan3A_12 = arith.constant 6 : i32
    %scan3A_13 = arith.addi %scan3A, %scan3A_12 : i32
    %scan3A_14 = arith.constant 1 : i32
    scf.for %scan3A_36 = %scan3A to %scan3A_13 step %scan3A_14  : i32 {
      %mul3A_37 = arith.constant 1 : i32
      %mul3A_38 = arith.muli %scan3A_36, %mul3A_37 : i32
      %add3A_39 = arith.constant 0 : i32
      %add3A_40 = arith.addi %add3A_39, %mul3A_38 : i32
      %get3A = arith.index_cast %add3A_40 : i32 to index
      %get3A_41 = arith.constant 0 : index
      %get3A_42 = tpu.vector_load %arg9[%get3A, %get3A_41] {strides = array<i32>} : memref<6x16xf32, #tpu.memory_space<vmem>>, vector<16xf32>,
      %dma_start3A = arith.constant 0 : i32
      %dma_start3A_43 = arith.constant 0 : i32
      %dma_start3A_44 = tpu.memref_slice %arg7[%dma_start3A, %dma_start3A_43] : memref<2x3968xi32, #tpu.memory_space<vmem>> -> memref<1x3968xi32, #tpu.memory_space<vmem>>
      %dma_start3A_45 = tpu.memref_squeeze %dma_start3A_44 : memref<1x3968xi32, #tpu.memory_space<vmem>> -> memref<3968xi32, #tpu.memory_space<vmem>>
      %dma_start3A_46 = arith.constant 0 : i32
      %dma_start3A_47 = tpu.memref_slice %arg2[%add3A_40, %dma_start3A_46] : memref<6x50000xi32, #tpu.memory_space<hbm>> -> memref<1x3968xi32, #tpu.memory_space<hbm>>
      %dma_start3A_48 = tpu.memref_squeeze %dma_start3A_47 : memref<1x3968xi32, #tpu.memory_space<hbm>> -> memref<3968xi32, #tpu.memory_space<hbm>>
      %dma_start3A_49 = arith.constant 0 : i32
      %dma_start3A_50 = tpu.memref_slice %arg7[%dma_start3A, %dma_start3A_49] : memref<2x3968xi32, #tpu.memory_space<vmem>> -> memref<1x3968xi32, #tpu.memory_space<vmem>>
      %dma_start3A_51 = tpu.memref_squeeze %dma_start3A_50 : memref<1x3968xi32, #tpu.memory_space<vmem>> -> memref<3968xi32, #tpu.memory_space<vmem>>
      %dma_start3A_52 = arith.constant 0 : i32
      %dma_start3A_53 = tpu.memref_slice %arg2[%add3A_40, %dma_start3A_52] : memref<6x50000xi32, #tpu.memory_space<hbm>> -> memref<1x3968xi32, #tpu.memory_space<hbm>>
      %dma_start3A_54 = tpu.memref_squeeze %dma_start3A_53 : memref<1x3968xi32, #tpu.memory_space<hbm>> -> memref<3968xi32, #tpu.memory_space<hbm>>
      tpu.enqueue_dma source(%dma_start3A_54 : memref<3968xi32, #tpu.memory_space<hbm>>) target(%dma_start3A_51 : memref<3968xi32, #tpu.memory_space<vmem>>) target_semaphore(%arg11 : memref<!tpu.dma_semaphore, #tpu.memory_space<semaphore_mem>>)
      %dma_start3A_55 = arith.constant 47616 : i32
      %dma_start3A_56 = tpu.memref_slice %arg2[%add3A_40, %dma_start3A_55] : memref<6x50000xi32, #tpu.memory_space<hbm>> -> memref<1x2384xi32, #tpu.memory_space<hbm>>
      %dma_start3A_57 = tpu.memref_squeeze %dma_start3A_56 : memref<1x2384xi32, #tpu.memory_space<hbm>> -> memref<2384xi32, #tpu.memory_space<hbm>>
      %dma_start3A_58 = arith.constant 47616 : i32
      %dma_start3A_59 = tpu.memref_slice %arg2[%add3A_40, %dma_start3A_58] : memref<6x50000xi32, #tpu.memory_space<hbm>> -> memref<1x2384xi32, #tpu.memory_space<hbm>>
      %dma_start3A_60 = tpu.memref_squeeze %dma_start3A_59 : memref<1x2384xi32, #tpu.memory_space<hbm>> -> memref<2384xi32, #tpu.memory_space<hbm>>
      tpu.enqueue_dma source(%dma_start3A_60 : memref<2384xi32, #tpu.memory_space<hbm>>) target(%arg8 : memref<2384xi32, #tpu.memory_space<vmem>>) target_semaphore(%arg13 : memref<!tpu.dma_semaphore, #tpu.memory_space<semaphore_mem>>)
      %scan3A_61 = arith.constant 0 : i32
      %scan3A_62 = arith.constant 6 : i32
      %scan3A_63 = arith.addi %scan3A_61, %scan3A_62 : i32
      %scan3A_64 = arith.constant 1 : i32
      scf.for %scan3A_96 = %scan3A_61 to %scan3A_63 step %scan3A_64  : i32 {
        %mul3A_97 = arith.constant 2 : i32
        %mul3A_98 = arith.muli %scan3A_96, %mul3A_97 : i32
        %add3A_99 = arith.constant 0 : i32
        %add3A_100 = arith.addi %add3A_99, %mul3A_98 : i32
        %add3A_101 = arith.constant 1 : i32
        %add3A_102 = arith.addi %add3A_100, %add3A_101 : i32
        %mul3A_103 = arith.constant 3968 : i32
        %mul3A_104 = arith.muli %add3A_102, %mul3A_103 : i32
        %dma_start3A_105 = arith.constant 1 : i32
        %dma_start3A_106 = arith.constant 0 : i32
        %dma_start3A_107 = tpu.memref_slice %arg7[%dma_start3A_105, %dma_start3A_106] : memref<2x3968xi32, #tpu.memory_space<vmem>> -> memref<1x3968xi32, #tpu.memory_space<vmem>>
        %dma_start3A_108 = tpu.memref_squeeze %dma_start3A_107 : memref<1x3968xi32, #tpu.memory_space<vmem>> -> memref<3968xi32, #tpu.memory_space<vmem>>
        %dma_start3A_109 = tpu.memref_slice %arg2[%add3A_40, %mul3A_104] : memref<6x50000xi32, #tpu.memory_space<hbm>> -> memref<1x3968xi32, #tpu.memory_space<hbm>>
        %dma_start3A_110 = tpu.memref_squeeze %dma_start3A_109 : memref<1x3968xi32, #tpu.memory_space<hbm>> -> memref<3968xi32, #tpu.memory_space<hbm>>
        %dma_start3A_111 = arith.constant 0 : i32
        %dma_start3A_112 = tpu.memref_slice %arg7[%dma_start3A_105, %dma_start3A_111] : memref<2x3968xi32, #tpu.memory_space<vmem>> -> memref<1x3968xi32, #tpu.memory_space<vmem>>
        %dma_start3A_113 = tpu.memref_squeeze %dma_start3A_112 : memref<1x3968xi32, #tpu.memory_space<vmem>> -> memref<3968xi32, #tpu.memory_space<vmem>>
        %dma_start3A_114 = tpu.memref_slice %arg2[%add3A_40, %mul3A_104] : memref<6x50000xi32, #tpu.memory_space<hbm>> -> memref<1x3968xi32, #tpu.memory_space<hbm>>
        %dma_start3A_115 = tpu.memref_squeeze %dma_start3A_114 : memref<1x3968xi32, #tpu.memory_space<hbm>> -> memref<3968xi32, #tpu.memory_space<hbm>>
        tpu.enqueue_dma source(%dma_start3A_115 : memref<3968xi32, #tpu.memory_space<hbm>>) target(%dma_start3A_113 : memref<3968xi32, #tpu.memory_space<vmem>>) target_semaphore(%arg12 : memref<!tpu.dma_semaphore, #tpu.memory_space<semaphore_mem>>)
        %mul3A_116 = arith.constant 3968 : i32
        %mul3A_117 = arith.muli %add3A_100, %mul3A_116 : i32
        %dma_wait3A_118 = arith.constant 0 : i32
        %dma_wait3A_119 = arith.constant 0 : i32
        %dma_wait3A_120 = tpu.memref_slice %arg7[%dma_wait3A_118, %dma_wait3A_119] : memref<2x3968xi32, #tpu.memory_space<vmem>> -> memref<1x3968xi32, #tpu.memory_space<vmem>>
        %dma_wait3A_121 = tpu.memref_squeeze %dma_wait3A_120 : memref<1x3968xi32, #tpu.memory_space<vmem>> -> memref<3968xi32, #tpu.memory_space<vmem>>
        %dma_wait3A_122 = tpu.memref_slice %arg2[%add3A_40, %mul3A_117] : memref<6x50000xi32, #tpu.memory_space<hbm>> -> memref<1x3968xi32, #tpu.memory_space<hbm>>
        %dma_wait3A_123 = tpu.memref_squeeze %dma_wait3A_122 : memref<1x3968xi32, #tpu.memory_space<hbm>> -> memref<3968xi32, #tpu.memory_space<hbm>>
        %dma_wait3A_124 = arith.constant 0 : i32
        %dma_wait3A_125 = tpu.memref_slice %arg7[%dma_wait3A_118, %dma_wait3A_124] : memref<2x3968xi32, #tpu.memory_space<vmem>> -> memref<1x3968xi32, #tpu.memory_space<vmem>>
        %dma_wait3A_126 = tpu.memref_squeeze %dma_wait3A_125 : memref<1x3968xi32, #tpu.memory_space<vmem>> -> memref<3968xi32, #tpu.memory_space<vmem>>
        %dma_wait3A_127 = tpu.memref_slice %arg2[%add3A_40, %mul3A_117] : memref<6x50000xi32, #tpu.memory_space<hbm>> -> memref<1x3968xi32, #tpu.memory_space<hbm>>
        %dma_wait3A_128 = tpu.memref_squeeze %dma_wait3A_127 : memref<1x3968xi32, #tpu.memory_space<hbm>> -> memref<3968xi32, #tpu.memory_space<hbm>>
        tpu.wait_dma2 semaphore(%arg11 : memref<!tpu.dma_semaphore, #tpu.memory_space<semaphore_mem>>) src(%dma_wait3A_128 : memref<3968xi32, #tpu.memory_space<hbm>>) dst(%dma_wait3A_126 : memref<3968xi32, #tpu.memory_space<vmem>>)
        %parallel_loop3A_129 = arith.constant 0 : i32
        %parallel_loop3A_130 = arith.constant 3968 : i32
        %parallel_loop3A_131 = arith.constant 128 : i32
        scf.for %parallel_loop3A_155 = %parallel_loop3A_129 to %parallel_loop3A_130 step %parallel_loop3A_131  : i32 {
          %parallel_loop3A_156 = arith.constant 0 : i32
          %parallel_loop3A_157 = arith.addi %parallel_loop3A_155, %parallel_loop3A_156 : i32
          %parallel_loop3A_158 = arith.constant 0 : i32
          %parallel_loop3A_159 = arith.index_cast %parallel_loop3A_158 : i32 to index
          %parallel_loop3A_160 = arith.index_cast %parallel_loop3A_157 : i32 to index
          %parallel_loop3A_161 = tpu.vector_load %arg7[%parallel_loop3A_159, %parallel_loop3A_160] {strides = array<i32>} : memref<2x3968xi32, #tpu.memory_space<vmem>>, vector<16xi32>,
          %parallel_loop3A_162 = arith.subi %parallel_loop3A_161, %add3A_5 : vector<16xi32>
          %parallel_loop3A_163 = vector.bitcast %parallel_loop3A_162 : vector<16xi32> to vector<16xi32>
          %parallel_loop3A_164 = arith.cmpi ult, %parallel_loop3A_163, %broadcast_in_dim3A_7 : vector<16xi32>
          tpu.vector_store_idx %arg6[%parallel_loop3A_162], %get3A_42 masked %parallel_loop3A_164 : memref<32768xf32, #tpu.memory_space<vmem>>[vector<16xi32>], vector<16xf32>, vector<16xi1>
          %parallel_loop3A_165 = arith.constant 16 : i32
          %parallel_loop3A_166 = arith.addi %parallel_loop3A_155, %parallel_loop3A_165 : i32
          %parallel_loop3A_167 = arith.constant 0 : i32
          %parallel_loop3A_168 = arith.index_cast %parallel_loop3A_167 : i32 to index
          %parallel_loop3A_169 = arith.index_cast %parallel_loop3A_166 : i32 to index
          %parallel_loop3A_170 = tpu.vector_load %arg7[%parallel_loop3A_168, %parallel_loop3A_169] {strides = array<i32>} : memref<2x3968xi32, #tpu.memory_space<vmem>>, vector<16xi32>,
          %parallel_loop3A_171 = arith.subi %parallel_loop3A_170, %add3A_5 : vector<16xi32>
          %parallel_loop3A_172 = vector.bitcast %parallel_loop3A_171 : vector<16xi32> to vector<16xi32>
          %parallel_loop3A_173 = arith.cmpi ult, %parallel_loop3A_172, %broadcast_in_dim3A_7 : vector<16xi32>
          tpu.vector_store_idx %arg6[%parallel_loop3A_171], %get3A_42 masked %parallel_loop3A_173 : memref<32768xf32, #tpu.memory_space<vmem>>[vector<16xi32>], vector<16xf32>, vector<16xi1>
          %parallel_loop3A_174 = arith.constant 32 : i32
          %parallel_loop3A_175 = arith.addi %parallel_loop3A_155, %parallel_loop3A_174 : i32
          %parallel_loop3A_176 = arith.constant 0 : i32
          %parallel_loop3A_177 = arith.index_cast %parallel_loop3A_176 : i32 to index
          %parallel_loop3A_178 = arith.index_cast %parallel_loop3A_175 : i32 to index
          %parallel_loop3A_179 = tpu.vector_load %arg7[%parallel_loop3A_177, %parallel_loop3A_178] {strides = array<i32>} : memref<2x3968xi32, #tpu.memory_space<vmem>>, vector<16xi32>,
          %parallel_loop3A_180 = arith.subi %parallel_loop3A_179, %add3A_5 : vector<16xi32>
          %parallel_loop3A_181 = vector.bitcast %parallel_loop3A_180 : vector<16xi32> to vector<16xi32>
          %parallel_loop3A_182 = arith.cmpi ult, %parallel_loop3A_181, %broadcast_in_dim3A_7 : vector<16xi32>
          tpu.vector_store_idx %arg6[%parallel_loop3A_180], %get3A_42 masked %parallel_loop3A_182 : memref<32768xf32, #tpu.memory_space<vmem>>[vector<16xi32>], vector<16xf32>, vector<16xi1>
          %parallel_loop3A_183 = arith.constant 48 : i32
          %parallel_loop3A_184 = arith.addi %parallel_loop3A_155, %parallel_loop3A_183 : i32
          %parallel_loop3A_185 = arith.constant 0 : i32
          %parallel_loop3A_186 = arith.index_cast %parallel_loop3A_185 : i32 to index
          %parallel_loop3A_187 = arith.index_cast %parallel_loop3A_184 : i32 to index
          %parallel_loop3A_188 = tpu.vector_load %arg7[%parallel_loop3A_186, %parallel_loop3A_187] {strides = array<i32>} : memref<2x3968xi32, #tpu.memory_space<vmem>>, vector<16xi32>,
          %parallel_loop3A_189 = arith.subi %parallel_loop3A_188, %add3A_5 : vector<16xi32>
          %parallel_loop3A_190 = vector.bitcast %parallel_loop3A_189 : vector<16xi32> to vector<16xi32>
          %parallel_loop3A_191 = arith.cmpi ult, %parallel_loop3A_190, %broadcast_in_dim3A_7 : vector<16xi32>
          tpu.vector_store_idx %arg6[%parallel_loop3A_189], %get3A_42 masked %parallel_loop3A_191 : memref<32768xf32, #tpu.memory_space<vmem>>[vector<16xi32>], vector<16xf32>, vector<16xi1>
          %parallel_loop3A_192 = arith.constant 64 : i32
          %parallel_loop3A_193 = arith.addi %parallel_loop3A_155, %parallel_loop3A_192 : i32
          %parallel_loop3A_194 = arith.constant 0 : i32
          %parallel_loop3A_195 = arith.index_cast %parallel_loop3A_194 : i32 to index
          %parallel_loop3A_196 = arith.index_cast %parallel_loop3A_193 : i32 to index
          %parallel_loop3A_197 = tpu.vector_load %arg7[%parallel_loop3A_195, %parallel_loop3A_196] {strides = array<i32>} : memref<2x3968xi32, #tpu.memory_space<vmem>>, vector<16xi32>,
          %parallel_loop3A_198 = arith.subi %parallel_loop3A_197, %add3A_5 : vector<16xi32>
          %parallel_loop3A_199 = vector.bitcast %parallel_loop3A_198 : vector<16xi32> to vector<16xi32>
          %parallel_loop3A_200 = arith.cmpi ult, %parallel_loop3A_199, %broadcast_in_dim3A_7 : vector<16xi32>
          tpu.vector_store_idx %arg6[%parallel_loop3A_198], %get3A_42 masked %parallel_loop3A_200 : memref<32768xf32, #tpu.memory_space<vmem>>[vector<16xi32>], vector<16xf32>, vector<16xi1>
          %parallel_loop3A_201 = arith.constant 80 : i32
          %parallel_loop3A_202 = arith.addi %parallel_loop3A_155, %parallel_loop3A_201 : i32
          %parallel_loop3A_203 = arith.constant 0 : i32
          %parallel_loop3A_204 = arith.index_cast %parallel_loop3A_203 : i32 to index
          %parallel_loop3A_205 = arith.index_cast %parallel_loop3A_202 : i32 to index
          %parallel_loop3A_206 = tpu.vector_load %arg7[%parallel_loop3A_204, %parallel_loop3A_205] {strides = array<i32>} : memref<2x3968xi32, #tpu.memory_space<vmem>>, vector<16xi32>,
          %parallel_loop3A_207 = arith.subi %parallel_loop3A_206, %add3A_5 : vector<16xi32>
          %parallel_loop3A_208 = vector.bitcast %parallel_loop3A_207 : vector<16xi32> to vector<16xi32>
          %parallel_loop3A_209 = arith.cmpi ult, %parallel_loop3A_208, %broadcast_in_dim3A_7 : vector<16xi32>
          tpu.vector_store_idx %arg6[%parallel_loop3A_207], %get3A_42 masked %parallel_loop3A_209 : memref<32768xf32, #tpu.memory_space<vmem>>[vector<16xi32>], vector<16xf32>, vector<16xi1>
          %parallel_loop3A_210 = arith.constant 96 : i32
          %parallel_loop3A_211 = arith.addi %parallel_loop3A_155, %parallel_loop3A_210 : i32
          %parallel_loop3A_212 = arith.constant 0 : i32
          %parallel_loop3A_213 = arith.index_cast %parallel_loop3A_212 : i32 to index
          %parallel_loop3A_214 = arith.index_cast %parallel_loop3A_211 : i32 to index
          %parallel_loop3A_215 = tpu.vector_load %arg7[%parallel_loop3A_213, %parallel_loop3A_214] {strides = array<i32>} : memref<2x3968xi32, #tpu.memory_space<vmem>>, vector<16xi32>,
          %parallel_loop3A_216 = arith.subi %parallel_loop3A_215, %add3A_5 : vector<16xi32>
          %parallel_loop3A_217 = vector.bitcast %parallel_loop3A_216 : vector<16xi32> to vector<16xi32>
          %parallel_loop3A_218 = arith.cmpi ult, %parallel_loop3A_217, %broadcast_in_dim3A_7 : vector<16xi32>
          tpu.vector_store_idx %arg6[%parallel_loop3A_216], %get3A_42 masked %parallel_loop3A_218 : memref<32768xf32, #tpu.memory_space<vmem>>[vector<16xi32>], vector<16xf32>, vector<16xi1>
          %parallel_loop3A_219 = arith.constant 112 : i32
          %parallel_loop3A_220 = arith.addi %parallel_loop3A_155, %parallel_loop3A_219 : i32
          %parallel_loop3A_221 = arith.constant 0 : i32
          %parallel_loop3A_222 = arith.index_cast %parallel_loop3A_221 : i32 to index
          %parallel_loop3A_223 = arith.index_cast %parallel_loop3A_220 : i32 to index
          %parallel_loop3A_224 = tpu.vector_load %arg7[%parallel_loop3A_222, %parallel_loop3A_223] {strides = array<i32>} : memref<2x3968xi32, #tpu.memory_space<vmem>>, vector<16xi32>,
          %parallel_loop3A_225 = arith.subi %parallel_loop3A_224, %add3A_5 : vector<16xi32>
          %parallel_loop3A_226 = vector.bitcast %parallel_loop3A_225 : vector<16xi32> to vector<16xi32>
          %parallel_loop3A_227 = arith.cmpi ult, %parallel_loop3A_226, %broadcast_in_dim3A_7 : vector<16xi32>
          tpu.vector_store_idx %arg6[%parallel_loop3A_225], %get3A_42 masked %parallel_loop3A_227 : memref<32768xf32, #tpu.memory_space<vmem>>[vector<16xi32>], vector<16xf32>, vector<16xi1>
        } {sc.loop_unroll_factor = 2 : i64, sc.parallel_access}
        %add3A_132 = arith.constant 2 : i32
        %add3A_133 = arith.addi %add3A_100, %add3A_132 : i32
        %lt3A_134 = arith.constant 12 : i32
        %lt3A_135 = arith.cmpi slt, %add3A_133, %lt3A_134 : i32
        %convert_element_type3A = arith.extui %lt3A_135 : i1 to i32
        %cond3A = arith.constant 0 : i32
        %cond3A_136 = arith.cmpi ne, %convert_element_type3A, %cond3A : i32
        scf.if %cond3A_136 {
          %add3A_155 = arith.constant 2 : i32
          %add3A_156 = arith.addi %add3A_100, %add3A_155 : i32
          %mul3A_157 = arith.constant 3968 : i32
          %mul3A_158 = arith.muli %add3A_156, %mul3A_157 : i32
          %dma_start3A_159 = arith.constant 0 : i32
          %dma_start3A_160 = arith.constant 0 : i32
          %dma_start3A_161 = tpu.memref_slice %arg7[%dma_start3A_159, %dma_start3A_160] : memref<2x3968xi32, #tpu.memory_space<vmem>> -> memref<1x3968xi32, #tpu.memory_space<vmem>>
          %dma_start3A_162 = tpu.memref_squeeze %dma_start3A_161 : memref<1x3968xi32, #tpu.memory_space<vmem>> -> memref<3968xi32, #tpu.memory_space<vmem>>
          %dma_start3A_163 = tpu.memref_slice %arg2[%add3A_40, %mul3A_158] : memref<6x50000xi32, #tpu.memory_space<hbm>> -> memref<1x3968xi32, #tpu.memory_space<hbm>>
          %dma_start3A_164 = tpu.memref_squeeze %dma_start3A_163 : memref<1x3968xi32, #tpu.memory_space<hbm>> -> memref<3968xi32, #tpu.memory_space<hbm>>
          %dma_start3A_165 = arith.constant 0 : i32
          %dma_start3A_166 = tpu.memref_slice %arg7[%dma_start3A_159, %dma_start3A_165] : memref<2x3968xi32, #tpu.memory_space<vmem>> -> memref<1x3968xi32, #tpu.memory_space<vmem>>
          %dma_start3A_167 = tpu.memref_squeeze %dma_start3A_166 : memref<1x3968xi32, #tpu.memory_space<vmem>> -> memref<3968xi32, #tpu.memory_space<vmem>>
          %dma_start3A_168 = tpu.memref_slice %arg2[%add3A_40, %mul3A_158] : memref<6x50000xi32, #tpu.memory_space<hbm>> -> memref<1x3968xi32, #tpu.memory_space<hbm>>
          %dma_start3A_169 = tpu.memref_squeeze %dma_start3A_168 : memref<1x3968xi32, #tpu.memory_space<hbm>> -> memref<3968xi32, #tpu.memory_space<hbm>>
          tpu.enqueue_dma source(%dma_start3A_169 : memref<3968xi32, #tpu.memory_space<hbm>>) target(%dma_start3A_167 : memref<3968xi32, #tpu.memory_space<vmem>>) target_semaphore(%arg11 : memref<!tpu.dma_semaphore, #tpu.memory_space<semaphore_mem>>)
        } else {
        }
        %add3A_137 = arith.constant 1 : i32
        %add3A_138 = arith.addi %add3A_100, %add3A_137 : i32
        %mul3A_139 = arith.constant 3968 : i32
        %mul3A_140 = arith.muli %add3A_138, %mul3A_139 : i32
        %dma_wait3A_141 = arith.constant 1 : i32
        %dma_wait3A_142 = arith.constant 0 : i32
        %dma_wait3A_143 = tpu.memref_slice %arg7[%dma_wait3A_141, %dma_wait3A_142] : memref<2x3968xi32, #tpu.memory_space<vmem>> -> memref<1x3968xi32, #tpu.memory_space<vmem>>
        %dma_wait3A_144 = tpu.memref_squeeze %dma_wait3A_143 : memref<1x3968xi32, #tpu.memory_space<vmem>> -> memref<3968xi32, #tpu.memory_space<vmem>>
        %dma_wait3A_145 = tpu.memref_slice %arg2[%add3A_40, %mul3A_140] : memref<6x50000xi32, #tpu.memory_space<hbm>> -> memref<1x3968xi32, #tpu.memory_space<hbm>>
        %dma_wait3A_146 = tpu.memref_squeeze %dma_wait3A_145 : memref<1x3968xi32, #tpu.memory_space<hbm>> -> memref<3968xi32, #tpu.memory_space<hbm>>
        %dma_wait3A_147 = arith.constant 0 : i32
        %dma_wait3A_148 = tpu.memref_slice %arg7[%dma_wait3A_141, %dma_wait3A_147] : memref<2x3968xi32, #tpu.memory_space<vmem>> -> memref<1x3968xi32, #tpu.memory_space<vmem>>
        %dma_wait3A_149 = tpu.memref_squeeze %dma_wait3A_148 : memref<1x3968xi32, #tpu.memory_space<vmem>> -> memref<3968xi32, #tpu.memory_space<vmem>>
        %dma_wait3A_150 = tpu.memref_slice %arg2[%add3A_40, %mul3A_140] : memref<6x50000xi32, #tpu.memory_space<hbm>> -> memref<1x3968xi32, #tpu.memory_space<hbm>>
        %dma_wait3A_151 = tpu.memref_squeeze %dma_wait3A_150 : memref<1x3968xi32, #tpu.memory_space<hbm>> -> memref<3968xi32, #tpu.memory_space<hbm>>
        tpu.wait_dma2 semaphore(%arg12 : memref<!tpu.dma_semaphore, #tpu.memory_space<semaphore_mem>>) src(%dma_wait3A_151 : memref<3968xi32, #tpu.memory_space<hbm>>) dst(%dma_wait3A_149 : memref<3968xi32, #tpu.memory_space<vmem>>)
        %parallel_loop3A_152 = arith.constant 0 : i32
        %parallel_loop3A_153 = arith.constant 3968 : i32
        %parallel_loop3A_154 = arith.constant 128 : i32
        scf.for %parallel_loop3A_155 = %parallel_loop3A_152 to %parallel_loop3A_153 step %parallel_loop3A_154  : i32 {
          %parallel_loop3A_156 = arith.constant 0 : i32
          %parallel_loop3A_157 = arith.addi %parallel_loop3A_155, %parallel_loop3A_156 : i32
          %parallel_loop3A_158 = arith.constant 1 : i32
          %parallel_loop3A_159 = arith.index_cast %parallel_loop3A_158 : i32 to index
          %parallel_loop3A_160 = arith.index_cast %parallel_loop3A_157 : i32 to index
          %parallel_loop3A_161 = tpu.vector_load %arg7[%parallel_loop3A_159, %parallel_loop3A_160] {strides = array<i32>} : memref<2x3968xi32, #tpu.memory_space<vmem>>, vector<16xi32>,
          %parallel_loop3A_162 = arith.subi %parallel_loop3A_161, %add3A_5 : vector<16xi32>
          %parallel_loop3A_163 = vector.bitcast %parallel_loop3A_162 : vector<16xi32> to vector<16xi32>
          %parallel_loop3A_164 = arith.cmpi ult, %parallel_loop3A_163, %broadcast_in_dim3A_7 : vector<16xi32>
          tpu.vector_store_idx %arg6[%parallel_loop3A_162], %get3A_42 masked %parallel_loop3A_164 : memref<32768xf32, #tpu.memory_space<vmem>>[vector<16xi32>], vector<16xf32>, vector<16xi1>
          %parallel_loop3A_165 = arith.constant 16 : i32
          %parallel_loop3A_166 = arith.addi %parallel_loop3A_155, %parallel_loop3A_165 : i32
          %parallel_loop3A_167 = arith.constant 1 : i32
          %parallel_loop3A_168 = arith.index_cast %parallel_loop3A_167 : i32 to index
          %parallel_loop3A_169 = arith.index_cast %parallel_loop3A_166 : i32 to index
          %parallel_loop3A_170 = tpu.vector_load %arg7[%parallel_loop3A_168, %parallel_loop3A_169] {strides = array<i32>} : memref<2x3968xi32, #tpu.memory_space<vmem>>, vector<16xi32>,
          %parallel_loop3A_171 = arith.subi %parallel_loop3A_170, %add3A_5 : vector<16xi32>
          %parallel_loop3A_172 = vector.bitcast %parallel_loop3A_171 : vector<16xi32> to vector<16xi32>
          %parallel_loop3A_173 = arith.cmpi ult, %parallel_loop3A_172, %broadcast_in_dim3A_7 : vector<16xi32>
          tpu.vector_store_idx %arg6[%parallel_loop3A_171], %get3A_42 masked %parallel_loop3A_173 : memref<32768xf32, #tpu.memory_space<vmem>>[vector<16xi32>], vector<16xf32>, vector<16xi1>
          %parallel_loop3A_174 = arith.constant 32 : i32
          %parallel_loop3A_175 = arith.addi %parallel_loop3A_155, %parallel_loop3A_174 : i32
          %parallel_loop3A_176 = arith.constant 1 : i32
          %parallel_loop3A_177 = arith.index_cast %parallel_loop3A_176 : i32 to index
          %parallel_loop3A_178 = arith.index_cast %parallel_loop3A_175 : i32 to index
          %parallel_loop3A_179 = tpu.vector_load %arg7[%parallel_loop3A_177, %parallel_loop3A_178] {strides = array<i32>} : memref<2x3968xi32, #tpu.memory_space<vmem>>, vector<16xi32>,
          %parallel_loop3A_180 = arith.subi %parallel_loop3A_179, %add3A_5 : vector<16xi32>
          %parallel_loop3A_181 = vector.bitcast %parallel_loop3A_180 : vector<16xi32> to vector<16xi32>
          %parallel_loop3A_182 = arith.cmpi ult, %parallel_loop3A_181, %broadcast_in_dim3A_7 : vector<16xi32>
          tpu.vector_store_idx %arg6[%parallel_loop3A_180], %get3A_42 masked %parallel_loop3A_182 : memref<32768xf32, #tpu.memory_space<vmem>>[vector<16xi32>], vector<16xf32>, vector<16xi1>
          %parallel_loop3A_183 = arith.constant 48 : i32
          %parallel_loop3A_184 = arith.addi %parallel_loop3A_155, %parallel_loop3A_183 : i32
          %parallel_loop3A_185 = arith.constant 1 : i32
          %parallel_loop3A_186 = arith.index_cast %parallel_loop3A_185 : i32 to index
          %parallel_loop3A_187 = arith.index_cast %parallel_loop3A_184 : i32 to index
          %parallel_loop3A_188 = tpu.vector_load %arg7[%parallel_loop3A_186, %parallel_loop3A_187] {strides = array<i32>} : memref<2x3968xi32, #tpu.memory_space<vmem>>, vector<16xi32>,
          %parallel_loop3A_189 = arith.subi %parallel_loop3A_188, %add3A_5 : vector<16xi32>
          %parallel_loop3A_190 = vector.bitcast %parallel_loop3A_189 : vector<16xi32> to vector<16xi32>
          %parallel_loop3A_191 = arith.cmpi ult, %parallel_loop3A_190, %broadcast_in_dim3A_7 : vector<16xi32>
          tpu.vector_store_idx %arg6[%parallel_loop3A_189], %get3A_42 masked %parallel_loop3A_191 : memref<32768xf32, #tpu.memory_space<vmem>>[vector<16xi32>], vector<16xf32>, vector<16xi1>
          %parallel_loop3A_192 = arith.constant 64 : i32
          %parallel_loop3A_193 = arith.addi %parallel_loop3A_155, %parallel_loop3A_192 : i32
          %parallel_loop3A_194 = arith.constant 1 : i32
          %parallel_loop3A_195 = arith.index_cast %parallel_loop3A_194 : i32 to index
          %parallel_loop3A_196 = arith.index_cast %parallel_loop3A_193 : i32 to index
          %parallel_loop3A_197 = tpu.vector_load %arg7[%parallel_loop3A_195, %parallel_loop3A_196] {strides = array<i32>} : memref<2x3968xi32, #tpu.memory_space<vmem>>, vector<16xi32>,
          %parallel_loop3A_198 = arith.subi %parallel_loop3A_197, %add3A_5 : vector<16xi32>
          %parallel_loop3A_199 = vector.bitcast %parallel_loop3A_198 : vector<16xi32> to vector<16xi32>
          %parallel_loop3A_200 = arith.cmpi ult, %parallel_loop3A_199, %broadcast_in_dim3A_7 : vector<16xi32>
          tpu.vector_store_idx %arg6[%parallel_loop3A_198], %get3A_42 masked %parallel_loop3A_200 : memref<32768xf32, #tpu.memory_space<vmem>>[vector<16xi32>], vector<16xf32>, vector<16xi1>
          %parallel_loop3A_201 = arith.constant 80 : i32
          %parallel_loop3A_202 = arith.addi %parallel_loop3A_155, %parallel_loop3A_201 : i32
          %parallel_loop3A_203 = arith.constant 1 : i32
          %parallel_loop3A_204 = arith.index_cast %parallel_loop3A_203 : i32 to index
          %parallel_loop3A_205 = arith.index_cast %parallel_loop3A_202 : i32 to index
          %parallel_loop3A_206 = tpu.vector_load %arg7[%parallel_loop3A_204, %parallel_loop3A_205] {strides = array<i32>} : memref<2x3968xi32, #tpu.memory_space<vmem>>, vector<16xi32>,
          %parallel_loop3A_207 = arith.subi %parallel_loop3A_206, %add3A_5 : vector<16xi32>
          %parallel_loop3A_208 = vector.bitcast %parallel_loop3A_207 : vector<16xi32> to vector<16xi32>
          %parallel_loop3A_209 = arith.cmpi ult, %parallel_loop3A_208, %broadcast_in_dim3A_7 : vector<16xi32>
          tpu.vector_store_idx %arg6[%parallel_loop3A_207], %get3A_42 masked %parallel_loop3A_209 : memref<32768xf32, #tpu.memory_space<vmem>>[vector<16xi32>], vector<16xf32>, vector<16xi1>
          %parallel_loop3A_210 = arith.constant 96 : i32
          %parallel_loop3A_211 = arith.addi %parallel_loop3A_155, %parallel_loop3A_210 : i32
          %parallel_loop3A_212 = arith.constant 1 : i32
          %parallel_loop3A_213 = arith.index_cast %parallel_loop3A_212 : i32 to index
          %parallel_loop3A_214 = arith.index_cast %parallel_loop3A_211 : i32 to index
          %parallel_loop3A_215 = tpu.vector_load %arg7[%parallel_loop3A_213, %parallel_loop3A_214] {strides = array<i32>} : memref<2x3968xi32, #tpu.memory_space<vmem>>, vector<16xi32>,
          %parallel_loop3A_216 = arith.subi %parallel_loop3A_215, %add3A_5 : vector<16xi32>
          %parallel_loop3A_217 = vector.bitcast %parallel_loop3A_216 : vector<16xi32> to vector<16xi32>
          %parallel_loop3A_218 = arith.cmpi ult, %parallel_loop3A_217, %broadcast_in_dim3A_7 : vector<16xi32>
          tpu.vector_store_idx %arg6[%parallel_loop3A_216], %get3A_42 masked %parallel_loop3A_218 : memref<32768xf32, #tpu.memory_space<vmem>>[vector<16xi32>], vector<16xf32>, vector<16xi1>
          %parallel_loop3A_219 = arith.constant 112 : i32
          %parallel_loop3A_220 = arith.addi %parallel_loop3A_155, %parallel_loop3A_219 : i32
          %parallel_loop3A_221 = arith.constant 1 : i32
          %parallel_loop3A_222 = arith.index_cast %parallel_loop3A_221 : i32 to index
          %parallel_loop3A_223 = arith.index_cast %parallel_loop3A_220 : i32 to index
          %parallel_loop3A_224 = tpu.vector_load %arg7[%parallel_loop3A_222, %parallel_loop3A_223] {strides = array<i32>} : memref<2x3968xi32, #tpu.memory_space<vmem>>, vector<16xi32>,
          %parallel_loop3A_225 = arith.subi %parallel_loop3A_224, %add3A_5 : vector<16xi32>
          %parallel_loop3A_226 = vector.bitcast %parallel_loop3A_225 : vector<16xi32> to vector<16xi32>
          %parallel_loop3A_227 = arith.cmpi ult, %parallel_loop3A_226, %broadcast_in_dim3A_7 : vector<16xi32>
          tpu.vector_store_idx %arg6[%parallel_loop3A_225], %get3A_42 masked %parallel_loop3A_227 : memref<32768xf32, #tpu.memory_space<vmem>>[vector<16xi32>], vector<16xf32>, vector<16xi1>
        } {sc.loop_unroll_factor = 2 : i64, sc.parallel_access}
      }
      %scan3A_65 = arith.constant 6 : i32
      %dma_wait3A = arith.constant 47616 : i32
      %dma_wait3A_66 = tpu.memref_slice %arg2[%add3A_40, %dma_wait3A] : memref<6x50000xi32, #tpu.memory_space<hbm>> -> memref<1x2384xi32, #tpu.memory_space<hbm>>
      %dma_wait3A_67 = tpu.memref_squeeze %dma_wait3A_66 : memref<1x2384xi32, #tpu.memory_space<hbm>> -> memref<2384xi32, #tpu.memory_space<hbm>>
      %dma_wait3A_68 = arith.constant 47616 : i32
      %dma_wait3A_69 = tpu.memref_slice %arg2[%add3A_40, %dma_wait3A_68] : memref<6x50000xi32, #tpu.memory_space<hbm>> -> memref<1x2384xi32, #tpu.memory_space<hbm>>
      %dma_wait3A_70 = tpu.memref_squeeze %dma_wait3A_69 : memref<1x2384xi32, #tpu.memory_space<hbm>> -> memref<2384xi32, #tpu.memory_space<hbm>>
      tpu.wait_dma2 semaphore(%arg13 : memref<!tpu.dma_semaphore, #tpu.memory_space<semaphore_mem>>) src(%dma_wait3A_70 : memref<2384xi32, #tpu.memory_space<hbm>>) dst(%arg8 : memref<2384xi32, #tpu.memory_space<vmem>>)
      %parallel_loop3A_71 = arith.constant 0 : i32
      %parallel_loop3A_72 = arith.constant 2304 : i32
      %parallel_loop3A_73 = arith.constant 128 : i32
      scf.for %parallel_loop3A_96 = %parallel_loop3A_71 to %parallel_loop3A_72 step %parallel_loop3A_73  : i32 {
        %parallel_loop3A_97 = arith.constant 0 : i32
        %parallel_loop3A_98 = arith.addi %parallel_loop3A_96, %parallel_loop3A_97 : i32
        %parallel_loop3A_99 = arith.index_cast %parallel_loop3A_98 : i32 to index
        %parallel_loop3A_100 = tpu.vector_load %arg8[%parallel_loop3A_99] {strides = array<i32>} : memref<2384xi32, #tpu.memory_space<vmem>>, vector<16xi32>,
        %parallel_loop3A_101 = arith.subi %parallel_loop3A_100, %add3A_5 : vector<16xi32>
        %parallel_loop3A_102 = vector.bitcast %parallel_loop3A_101 : vector<16xi32> to vector<16xi32>
        %parallel_loop3A_103 = arith.cmpi ult, %parallel_loop3A_102, %broadcast_in_dim3A_7 : vector<16xi32>
        tpu.vector_store_idx %arg6[%parallel_loop3A_101], %get3A_42 masked %parallel_loop3A_103 : memref<32768xf32, #tpu.memory_space<vmem>>[vector<16xi32>], vector<16xf32>, vector<16xi1>
        %parallel_loop3A_104 = arith.constant 16 : i32
        %parallel_loop3A_105 = arith.addi %parallel_loop3A_96, %parallel_loop3A_104 : i32
        %parallel_loop3A_106 = arith.index_cast %parallel_loop3A_105 : i32 to index
        %parallel_loop3A_107 = tpu.vector_load %arg8[%parallel_loop3A_106] {strides = array<i32>} : memref<2384xi32, #tpu.memory_space<vmem>>, vector<16xi32>,
        %parallel_loop3A_108 = arith.subi %parallel_loop3A_107, %add3A_5 : vector<16xi32>
        %parallel_loop3A_109 = vector.bitcast %parallel_loop3A_108 : vector<16xi32> to vector<16xi32>
        %parallel_loop3A_110 = arith.cmpi ult, %parallel_loop3A_109, %broadcast_in_dim3A_7 : vector<16xi32>
        tpu.vector_store_idx %arg6[%parallel_loop3A_108], %get3A_42 masked %parallel_loop3A_110 : memref<32768xf32, #tpu.memory_space<vmem>>[vector<16xi32>], vector<16xf32>, vector<16xi1>
        %parallel_loop3A_111 = arith.constant 32 : i32
        %parallel_loop3A_112 = arith.addi %parallel_loop3A_96, %parallel_loop3A_111 : i32
        %parallel_loop3A_113 = arith.index_cast %parallel_loop3A_112 : i32 to index
        %parallel_loop3A_114 = tpu.vector_load %arg8[%parallel_loop3A_113] {strides = array<i32>} : memref<2384xi32, #tpu.memory_space<vmem>>, vector<16xi32>,
        %parallel_loop3A_115 = arith.subi %parallel_loop3A_114, %add3A_5 : vector<16xi32>
        %parallel_loop3A_116 = vector.bitcast %parallel_loop3A_115 : vector<16xi32> to vector<16xi32>
        %parallel_loop3A_117 = arith.cmpi ult, %parallel_loop3A_116, %broadcast_in_dim3A_7 : vector<16xi32>
        tpu.vector_store_idx %arg6[%parallel_loop3A_115], %get3A_42 masked %parallel_loop3A_117 : memref<32768xf32, #tpu.memory_space<vmem>>[vector<16xi32>], vector<16xf32>, vector<16xi1>
        %parallel_loop3A_118 = arith.constant 48 : i32
        %parallel_loop3A_119 = arith.addi %parallel_loop3A_96, %parallel_loop3A_118 : i32
        %parallel_loop3A_120 = arith.index_cast %parallel_loop3A_119 : i32 to index
        %parallel_loop3A_121 = tpu.vector_load %arg8[%parallel_loop3A_120] {strides = array<i32>} : memref<2384xi32, #tpu.memory_space<vmem>>, vector<16xi32>,
        %parallel_loop3A_122 = arith.subi %parallel_loop3A_121, %add3A_5 : vector<16xi32>
        %parallel_loop3A_123 = vector.bitcast %parallel_loop3A_122 : vector<16xi32> to vector<16xi32>
        %parallel_loop3A_124 = arith.cmpi ult, %parallel_loop3A_123, %broadcast_in_dim3A_7 : vector<16xi32>
        tpu.vector_store_idx %arg6[%parallel_loop3A_122], %get3A_42 masked %parallel_loop3A_124 : memref<32768xf32, #tpu.memory_space<vmem>>[vector<16xi32>], vector<16xf32>, vector<16xi1>
        %parallel_loop3A_125 = arith.constant 64 : i32
        %parallel_loop3A_126 = arith.addi %parallel_loop3A_96, %parallel_loop3A_125 : i32
        %parallel_loop3A_127 = arith.index_cast %parallel_loop3A_126 : i32 to index
        %parallel_loop3A_128 = tpu.vector_load %arg8[%parallel_loop3A_127] {strides = array<i32>} : memref<2384xi32, #tpu.memory_space<vmem>>, vector<16xi32>,
        %parallel_loop3A_129 = arith.subi %parallel_loop3A_128, %add3A_5 : vector<16xi32>
        %parallel_loop3A_130 = vector.bitcast %parallel_loop3A_129 : vector<16xi32> to vector<16xi32>
        %parallel_loop3A_131 = arith.cmpi ult, %parallel_loop3A_130, %broadcast_in_dim3A_7 : vector<16xi32>
        tpu.vector_store_idx %arg6[%parallel_loop3A_129], %get3A_42 masked %parallel_loop3A_131 : memref<32768xf32, #tpu.memory_space<vmem>>[vector<16xi32>], vector<16xf32>, vector<16xi1>
        %parallel_loop3A_132 = arith.constant 80 : i32
        %parallel_loop3A_133 = arith.addi %parallel_loop3A_96, %parallel_loop3A_132 : i32
        %parallel_loop3A_134 = arith.index_cast %parallel_loop3A_133 : i32 to index
        %parallel_loop3A_135 = tpu.vector_load %arg8[%parallel_loop3A_134] {strides = array<i32>} : memref<2384xi32, #tpu.memory_space<vmem>>, vector<16xi32>,
        %parallel_loop3A_136 = arith.subi %parallel_loop3A_135, %add3A_5 : vector<16xi32>
        %parallel_loop3A_137 = vector.bitcast %parallel_loop3A_136 : vector<16xi32> to vector<16xi32>
        %parallel_loop3A_138 = arith.cmpi ult, %parallel_loop3A_137, %broadcast_in_dim3A_7 : vector<16xi32>
        tpu.vector_store_idx %arg6[%parallel_loop3A_136], %get3A_42 masked %parallel_loop3A_138 : memref<32768xf32, #tpu.memory_space<vmem>>[vector<16xi32>], vector<16xf32>, vector<16xi1>
        %parallel_loop3A_139 = arith.constant 96 : i32
        %parallel_loop3A_140 = arith.addi %parallel_loop3A_96, %parallel_loop3A_139 : i32
        %parallel_loop3A_141 = arith.index_cast %parallel_loop3A_140 : i32 to index
        %parallel_loop3A_142 = tpu.vector_load %arg8[%parallel_loop3A_141] {strides = array<i32>} : memref<2384xi32, #tpu.memory_space<vmem>>, vector<16xi32>,
        %parallel_loop3A_143 = arith.subi %parallel_loop3A_142, %add3A_5 : vector<16xi32>
        %parallel_loop3A_144 = vector.bitcast %parallel_loop3A_143 : vector<16xi32> to vector<16xi32>
        %parallel_loop3A_145 = arith.cmpi ult, %parallel_loop3A_144, %broadcast_in_dim3A_7 : vector<16xi32>
        tpu.vector_store_idx %arg6[%parallel_loop3A_143], %get3A_42 masked %parallel_loop3A_145 : memref<32768xf32, #tpu.memory_space<vmem>>[vector<16xi32>], vector<16xf32>, vector<16xi1>
        %parallel_loop3A_146 = arith.constant 112 : i32
        %parallel_loop3A_147 = arith.addi %parallel_loop3A_96, %parallel_loop3A_146 : i32
        %parallel_loop3A_148 = arith.index_cast %parallel_loop3A_147 : i32 to index
        %parallel_loop3A_149 = tpu.vector_load %arg8[%parallel_loop3A_148] {strides = array<i32>} : memref<2384xi32, #tpu.memory_space<vmem>>, vector<16xi32>,
        %parallel_loop3A_150 = arith.subi %parallel_loop3A_149, %add3A_5 : vector<16xi32>
        %parallel_loop3A_151 = vector.bitcast %parallel_loop3A_150 : vector<16xi32> to vector<16xi32>
        %parallel_loop3A_152 = arith.cmpi ult, %parallel_loop3A_151, %broadcast_in_dim3A_7 : vector<16xi32>
        tpu.vector_store_idx %arg6[%parallel_loop3A_150], %get3A_42 masked %parallel_loop3A_152 : memref<32768xf32, #tpu.memory_space<vmem>>[vector<16xi32>], vector<16xf32>, vector<16xi1>
      } {sc.loop_unroll_factor = 2 : i64, sc.parallel_access}
      %get3A_74 = arith.constant 2304 : index
      %get3A_75 = tpu.vector_load %arg8[%get3A_74] {strides = array<i32>} : memref<2384xi32, #tpu.memory_space<vmem>>, vector<16xi32>,
      %sub3A = arith.subi %get3A_75, %add3A_5 : vector<16xi32>
      %bitcast3A = vector.bitcast %sub3A : vector<16xi32> to vector<16xi32>
      %lt3A = arith.cmpi ult, %bitcast3A, %broadcast_in_dim3A_7 : vector<16xi32>
      tpu.vector_store_idx %arg6[%sub3A], %get3A_42 masked %lt3A : memref<32768xf32, #tpu.memory_space<vmem>>[vector<16xi32>], vector<16xf32>, vector<16xi1>
      %get3A_76 = arith.constant 2320 : index
      %get3A_77 = tpu.vector_load %arg8[%get3A_76] {strides = array<i32>} : memref<2384xi32, #tpu.memory_space<vmem>>, vector<16xi32>,
      %sub3A_78 = arith.subi %get3A_77, %add3A_5 : vector<16xi32>
      %bitcast3A_79 = vector.bitcast %sub3A_78 : vector<16xi32> to vector<16xi32>
      %lt3A_80 = arith.cmpi ult, %bitcast3A_79, %broadcast_in_dim3A_7 : vector<16xi32>
      tpu.vector_store_idx %arg6[%sub3A_78], %get3A_42 masked %lt3A_80 : memref<32768xf32, #tpu.memory_space<vmem>>[vector<16xi32>], vector<16xf32>, vector<16xi1>
      %get3A_81 = arith.constant 2336 : index
      %get3A_82 = tpu.vector_load %arg8[%get3A_81] {strides = array<i32>} : memref<2384xi32, #tpu.memory_space<vmem>>, vector<16xi32>,
      %sub3A_83 = arith.subi %get3A_82, %add3A_5 : vector<16xi32>
      %bitcast3A_84 = vector.bitcast %sub3A_83 : vector<16xi32> to vector<16xi32>
      %lt3A_85 = arith.cmpi ult, %bitcast3A_84, %broadcast_in_dim3A_7 : vector<16xi32>
      tpu.vector_store_idx %arg6[%sub3A_83], %get3A_42 masked %lt3A_85 : memref<32768xf32, #tpu.memory_space<vmem>>[vector<16xi32>], vector<16xf32>, vector<16xi1>
      %get3A_86 = arith.constant 2352 : index
      %get3A_87 = tpu.vector_load %arg8[%get3A_86] {strides = array<i32>} : memref<2384xi32, #tpu.memory_space<vmem>>, vector<16xi32>,
      %sub3A_88 = arith.subi %get3A_87, %add3A_5 : vector<16xi32>
      %bitcast3A_89 = vector.bitcast %sub3A_88 : vector<16xi32> to vector<16xi32>
      %lt3A_90 = arith.cmpi ult, %bitcast3A_89, %broadcast_in_dim3A_7 : vector<16xi32>
      tpu.vector_store_idx %arg6[%sub3A_88], %get3A_42 masked %lt3A_90 : memref<32768xf32, #tpu.memory_space<vmem>>[vector<16xi32>], vector<16xf32>, vector<16xi1>
      %get3A_91 = arith.constant 2368 : index
      %get3A_92 = tpu.vector_load %arg8[%get3A_91] {strides = array<i32>} : memref<2384xi32, #tpu.memory_space<vmem>>, vector<16xi32>,
      %sub3A_93 = arith.subi %get3A_92, %add3A_5 : vector<16xi32>
      %bitcast3A_94 = vector.bitcast %sub3A_93 : vector<16xi32> to vector<16xi32>
      %lt3A_95 = arith.cmpi ult, %bitcast3A_94, %broadcast_in_dim3A_7 : vector<16xi32>
      tpu.vector_store_idx %arg6[%sub3A_93], %get3A_42 masked %lt3A_95 : memref<32768xf32, #tpu.memory_space<vmem>>[vector<16xi32>], vector<16xf32>, vector<16xi1>
    }
    %scan3A_15 = arith.constant 6 : i32
    %scan3A_16 = arith.constant 0 : i32
    %scan3A_17 = arith.constant 32 : i32
    %scan3A_18 = arith.addi %scan3A_16, %scan3A_17 : i32
    %scan3A_19 = arith.constant 1 : i32
    scf.for %scan3A_36 = %scan3A_16 to %scan3A_18 step %scan3A_19  : i32 {
      %mul3A_37 = arith.constant 1 : i32
      %mul3A_38 = arith.muli %scan3A_36, %mul3A_37 : i32
      %add3A_39 = arith.constant 0 : i32
      %add3A_40 = arith.addi %add3A_39, %mul3A_38 : i32
      %mul3A_41 = arith.constant 1024 : i32
      %mul3A_42 = arith.muli %add3A_40, %mul3A_41 : i32
      %mul3A_43 = arith.constant 32 : i32
      %mul3A_44 = arith.muli %add3A, %mul3A_43 : i32
      %add3A_45 = arith.addi %mul3A_44, %add3A_40 : i32
      %dma_start3A = tpu.memref_slice %arg6[%mul3A_42] : memref<32768xf32, #tpu.memory_space<vmem>> -> memref<1024xf32, #tpu.memory_space<vmem>>
      %dma_start3A_46 = arith.constant 0 : i32
      %dma_start3A_47 = tpu.memref_slice %arg4[%add3A_45, %dma_start3A_46] : memref<1024x1024xf32, #tpu.memory_space<hbm>> -> memref<1x1024xf32, #tpu.memory_space<hbm>>
      %dma_start3A_48 = tpu.memref_squeeze %dma_start3A_47 : memref<1x1024xf32, #tpu.memory_space<hbm>> -> memref<1024xf32, #tpu.memory_space<hbm>>
      %dma_start3A_49 = arith.constant 0 : i32
      %dma_start3A_50 = tpu.memref_slice %arg4[%add3A_45, %dma_start3A_49] : memref<1024x1024xf32, #tpu.memory_space<hbm>> -> memref<1x1024xf32, #tpu.memory_space<hbm>>
      %dma_start3A_51 = tpu.memref_squeeze %dma_start3A_50 : memref<1x1024xf32, #tpu.memory_space<hbm>> -> memref<1024xf32, #tpu.memory_space<hbm>>
      %dma_start3A_52 = tpu.memref_slice %arg6[%mul3A_42] : memref<32768xf32, #tpu.memory_space<vmem>> -> memref<1024xf32, #tpu.memory_space<vmem>>
      tpu.enqueue_dma source(%dma_start3A_52 : memref<1024xf32, #tpu.memory_space<vmem>>) target(%dma_start3A_51 : memref<1024xf32, #tpu.memory_space<hbm>>) target_semaphore(%arg11 : memref<!tpu.dma_semaphore, #tpu.memory_space<semaphore_mem>>)
    }
    %scan3A_20 = arith.constant 32 : i32
    %scan3A_21 = arith.constant 0 : i32
    %scan3A_22 = arith.constant 512 : i32
    %scan3A_23 = arith.addi %scan3A_21, %scan3A_22 : i32
    %scan3A_24 = arith.constant 1 : i32
    %scan3A_25:2 = scf.for %scan3A_36 = %scan3A_21 to %scan3A_23 step %scan3A_24 iter_args(%scan3A_37 = %broadcast_in_dim3A_9, %scan3A_38 = %broadcast_in_dim3A_9) -> (vector<16xf32>, vector<16xf32>)  : i32 {
      %mul3A_39 = arith.constant 64 : i32
      %mul3A_40 = arith.muli %scan3A_36, %mul3A_39 : i32
      %get3A = arith.index_cast %mul3A_40 : i32 to index
      %get3A_41 = tpu.vector_load %arg6[%get3A] {strides = array<i32>} : memref<32768xf32, #tpu.memory_space<vmem>>, vector<16xf32>,
      %add3A_42 = arith.addf %scan3A_37, %get3A_41 : vector<16xf32>
      %add3A_43 = arith.constant 32 : i32
      %add3A_44 = arith.addi %mul3A_40, %add3A_43 : i32
      %get3A_45 = arith.index_cast %add3A_44 : i32 to index
      %get3A_46 = tpu.vector_load %arg6[%get3A_45] {strides = array<i32>} : memref<32768xf32, #tpu.memory_space<vmem>>, vector<16xf32>,
      %add3A_47 = arith.addf %add3A_42, %get3A_46 : vector<16xf32>
      %add3A_48 = arith.constant 16 : i32
      %add3A_49 = arith.addi %mul3A_40, %add3A_48 : i32
      %get3A_50 = arith.index_cast %add3A_49 : i32 to index
      %get3A_51 = tpu.vector_load %arg6[%get3A_50] {strides = array<i32>} : memref<32768xf32, #tpu.memory_space<vmem>>, vector<16xf32>,
      %add3A_52 = arith.addf %scan3A_38, %get3A_51 : vector<16xf32>
      %add3A_53 = arith.constant 48 : i32
      %add3A_54 = arith.addi %mul3A_40, %add3A_53 : i32
      %get3A_55 = arith.index_cast %add3A_54 : i32 to index
      %get3A_56 = tpu.vector_load %arg6[%get3A_55] {strides = array<i32>} : memref<32768xf32, #tpu.memory_space<vmem>>, vector<16xf32>,
      %add3A_57 = arith.addf %add3A_52, %get3A_56 : vector<16xf32>
      scf.yield %add3A_47, %add3A_57 : vector<16xf32>, vector<16xf32>
    }
    %scan3A_26 = arith.constant 512 : i32
    %add3A_27 = arith.addf %scan3A_25#0, %scan3A_25#1 : vector<16xf32>
    %swap3A = arith.constant 0 : i32
    %swap3A_28 = arith.index_cast %swap3A : i32 to index
    %swap3A_29 = arith.constant 0 : index
    %swap3A_30 = tpu.vector_load %arg10[%swap3A_28, %swap3A_29] {strides = array<i32>} : memref<1x16xf32, #tpu.memory_space<vmem>>, vector<16xf32>,
    tpu.vector_store %arg10[%swap3A_28, %swap3A_29], %add3A_27 {strides = array<i32>} : memref<1x16xf32, #tpu.memory_space<vmem>>, vector<16xf32>,
    %run_scoped3A = arith.constant 0 : i32
    "tpu.region"() ({
      %run_scoped3A_36 = tpu.sem_alloc : memref<!tpu.dma_semaphore, #tpu.memory_space<semaphore_mem>>
      %dma_start3A = arith.constant 0 : i32
      %dma_start3A_37 = tpu.memref_slice %arg10[%run_scoped3A, %dma_start3A] : memref<1x16xf32, #tpu.memory_space<vmem>> -> memref<1x16xf32, #tpu.memory_space<vmem>>
      %dma_start3A_38 = tpu.memref_squeeze %dma_start3A_37 : memref<1x16xf32, #tpu.memory_space<vmem>> -> memref<16xf32, #tpu.memory_space<vmem>>
      %dma_start3A_39 = arith.constant 0 : i32
      %dma_start3A_40 = tpu.memref_slice %arg5[%add3A, %dma_start3A_39] : memref<32x16xf32, #tpu.memory_space<hbm>> -> memref<1x16xf32, #tpu.memory_space<hbm>>
      %dma_start3A_41 = tpu.memref_squeeze %dma_start3A_40 : memref<1x16xf32, #tpu.memory_space<hbm>> -> memref<16xf32, #tpu.memory_space<hbm>>
      %dma_start3A_42 = arith.constant 0 : i32
      %dma_start3A_43 = tpu.memref_slice %arg5[%add3A, %dma_start3A_42] : memref<32x16xf32, #tpu.memory_space<hbm>> -> memref<1x16xf32, #tpu.memory_space<hbm>>
      %dma_start3A_44 = tpu.memref_squeeze %dma_start3A_43 : memref<1x16xf32, #tpu.memory_space<hbm>> -> memref<16xf32, #tpu.memory_space<hbm>>
      %dma_start3A_45 = arith.constant 0 : i32
      %dma_start3A_46 = tpu.memref_slice %arg10[%run_scoped3A, %dma_start3A_45] : memref<1x16xf32, #tpu.memory_space<vmem>> -> memref<1x16xf32, #tpu.memory_space<vmem>>
      %dma_start3A_47 = tpu.memref_squeeze %dma_start3A_46 : memref<1x16xf32, #tpu.memory_space<vmem>> -> memref<16xf32, #tpu.memory_space<vmem>>
      tpu.enqueue_dma source(%dma_start3A_47 : memref<16xf32, #tpu.memory_space<vmem>>) target(%dma_start3A_44 : memref<16xf32, #tpu.memory_space<hbm>>) target_semaphore(%run_scoped3A_36 : memref<!tpu.dma_semaphore, #tpu.memory_space<semaphore_mem>>)
      %dma_wait3A = arith.constant 0 : i32
      %dma_wait3A_48 = tpu.memref_slice %arg10[%run_scoped3A, %dma_wait3A] : memref<1x16xf32, #tpu.memory_space<vmem>> -> memref<1x16xf32, #tpu.memory_space<vmem>>
      %dma_wait3A_49 = tpu.memref_squeeze %dma_wait3A_48 : memref<1x16xf32, #tpu.memory_space<vmem>> -> memref<16xf32, #tpu.memory_space<vmem>>
      %dma_wait3A_50 = arith.constant 0 : i32
      %dma_wait3A_51 = tpu.memref_slice %arg5[%add3A, %dma_wait3A_50] : memref<32x16xf32, #tpu.memory_space<hbm>> -> memref<1x16xf32, #tpu.memory_space<hbm>>
      %dma_wait3A_52 = tpu.memref_squeeze %dma_wait3A_51 : memref<1x16xf32, #tpu.memory_space<hbm>> -> memref<16xf32, #tpu.memory_space<hbm>>
      %dma_wait3A_53 = arith.constant 0 : i32
      %dma_wait3A_54 = tpu.memref_slice %arg5[%add3A, %dma_wait3A_53] : memref<32x16xf32, #tpu.memory_space<hbm>> -> memref<1x16xf32, #tpu.memory_space<hbm>>
      %dma_wait3A_55 = tpu.memref_squeeze %dma_wait3A_54 : memref<1x16xf32, #tpu.memory_space<hbm>> -> memref<16xf32, #tpu.memory_space<hbm>>
      %dma_wait3A_56 = arith.constant 0 : i32
      %dma_wait3A_57 = tpu.memref_slice %arg10[%run_scoped3A, %dma_wait3A_56] : memref<1x16xf32, #tpu.memory_space<vmem>> -> memref<1x16xf32, #tpu.memory_space<vmem>>
      %dma_wait3A_58 = tpu.memref_squeeze %dma_wait3A_57 : memref<1x16xf32, #tpu.memory_space<vmem>> -> memref<16xf32, #tpu.memory_space<vmem>>
      tpu.wait_dma2 semaphore(%run_scoped3A_36 : memref<!tpu.dma_semaphore, #tpu.memory_space<semaphore_mem>>) src(%dma_wait3A_58 : memref<16xf32, #tpu.memory_space<vmem>>) dst(%dma_wait3A_55 : memref<16xf32, #tpu.memory_space<hbm>>)
      tpu.yield
    }) : () -> ()
    %scan3A_31 = arith.constant 0 : i32
    %scan3A_32 = arith.constant 32 : i32
    %scan3A_33 = arith.addi %scan3A_31, %scan3A_32 : i32
    %scan3A_34 = arith.constant 1 : i32
    scf.for %scan3A_36 = %scan3A_31 to %scan3A_33 step %scan3A_34  : i32 {
      %mul3A_37 = arith.constant 1 : i32
      %mul3A_38 = arith.muli %scan3A_36, %mul3A_37 : i32
      %add3A_39 = arith.constant 0 : i32
      %add3A_40 = arith.addi %add3A_39, %mul3A_38 : i32
      %mul3A_41 = arith.constant 1024 : i32
      %mul3A_42 = arith.muli %add3A_40, %mul3A_41 : i32
      %mul3A_43 = arith.constant 32 : i32
      %mul3A_44 = arith.muli %add3A, %mul3A_43 : i32
      %add3A_45 = arith.addi %mul3A_44, %add3A_40 : i32
      %dma_wait3A = tpu.memref_slice %arg6[%mul3A_42] : memref<32768xf32, #tpu.memory_space<vmem>> -> memref<1024xf32, #tpu.memory_space<vmem>>
      %dma_wait3A_46 = arith.constant 0 : i32
      %dma_wait3A_47 = tpu.memref_slice %arg4[%add3A_45, %dma_wait3A_46] : memref<1024x1024xf32, #tpu.memory_space<hbm>> -> memref<1x1024xf32, #tpu.memory_space<hbm>>
      %dma_wait3A_48 = tpu.memref_squeeze %dma_wait3A_47 : memref<1x1024xf32, #tpu.memory_space<hbm>> -> memref<1024xf32, #tpu.memory_space<hbm>>
      %dma_wait3A_49 = arith.constant 0 : i32
      %dma_wait3A_50 = tpu.memref_slice %arg4[%add3A_45, %dma_wait3A_49] : memref<1024x1024xf32, #tpu.memory_space<hbm>> -> memref<1x1024xf32, #tpu.memory_space<hbm>>
      %dma_wait3A_51 = tpu.memref_squeeze %dma_wait3A_50 : memref<1x1024xf32, #tpu.memory_space<hbm>> -> memref<1024xf32, #tpu.memory_space<hbm>>
      %dma_wait3A_52 = tpu.memref_slice %arg6[%mul3A_42] : memref<32768xf32, #tpu.memory_space<vmem>> -> memref<1024xf32, #tpu.memory_space<vmem>>
      tpu.wait_dma2 semaphore(%arg11 : memref<!tpu.dma_semaphore, #tpu.memory_space<semaphore_mem>>) src(%dma_wait3A_52 : memref<1024xf32, #tpu.memory_space<vmem>>) dst(%dma_wait3A_51 : memref<1024xf32, #tpu.memory_space<hbm>>)
    }
    %scan3A_35 = arith.constant 32 : i32
    return
  }
}

</mosaic_0001>

<sc_bundles>
// kernel: _sc_scatter.3.cloned.1.call-start
scs
__scs_entry_jumppad:
0x0: {  	(pc) =	sbr.rel $0x88, $3  }
0x1: {  	(tag) =	ssettag $0x0;
	lr =	simm.s32 $0x1  }
0x2: {  	[smem:$0x3F9F] =	sst lr;
	_ =	strace $0xD0000000  }
0x3: {  	_ = 	snop  }
0x4: {  	_ = 	snop  }
0x5: {  	_ = 	snop  }
0x6: {  	_ = 	snop  }
0x7: {  	_ = 	snop  }
__scs_overlays_trampoline_lowered:
0x8: {  	[smem:$0x3FAE] =	sst s0  }
0x9: {  	[smem:$0x3FAF] =	sst s1  }
0xa: {  	[smem:$0x3FB0] =	sst s2  }
0xb: {  	[smem:$0x3FB1] =	sst s3  }
0xc: {  	[smem:$0x3FB2] =	sst s4  }
0xd: {  	[smem:$0x3FB3] =	sst s5  }
0xe: {  	[smem:$0x3FB4] =	sst s6  }
0xf: {  	[smem:$0x3FB5] =	sst s7  }
0x10: {  	[smem:$0x3FB6] =	sst s8  }
0x11: {  	[smem:$0x3FB7] =	sst s9;
	s0 =	simm.s32 @!p0 $0x0  }
0x12: {  	s1 =	sld [smem:$0x3F9D];
	s0 =	simm.s32 @p0 $0x1  }
0x13: {  	[smem:$0x3FB8] =	sst s0;
	s0 =	simm.s32 @!p1 $0x0  }
0x14: {  	s2 =	sld [smem:$0x3F9C];
	s0 =	simm.s32 @p1 $0x1  }
0x15: {  	[smem:$0x3FB9] =	sst s0;
	s0 =	simm.s32 @!p2 $0x0  }
0x16: {  	s3 =	sld [smem:$0x3FDB];
	s0 =	simm.s32 @p2 $0x1  }
0x17: {  	s4 =	simm.s32 $0x1BF5;
	[smem:$0x3FBB] =	sst s0  }
0x18: {  	s0 =	sld [smem:$0x3F9E];
	_ =	swait.ge [sflag:s4], $0x0  }
0x19: {  	s7 =	sld [smem:$0x3F9F]  }
0x1a: {  	s8 =	sadd.s32 $0xFFFFE003, lr  }
0x1b: {  	s9 =	sadd.s32 $0xFFFFFEF7, lr;
	s5 =	simm.s32 $0xFFFFFFFF;
	p2 =	slt.u32 s8, $0xFFFFF086  }
0x1c: {  	p1 =	slt.u32 s9, $0xF7A;
	s5 =	simm.s32 @!p2 $0x0  }
0x1d: {  	s5 =	simm.s32 @p1 $0x1;
	p0 =	seq.s32 s7, s2  }
0x1e: {  	s7 =	smul.u32 @!p0 $0xF7A, s2;
	p2 =	seq.s32 @!p0 s5, $0x0  }
0x1f: {  	s9 =	smul.u32 $0xF7A, s1;
	s8 =	simm.s32 @!p0 $0x1BF5;
	p2 =	por !p2, p0  }
0x20: {  	[sflag:s8] =	ssyncset.s32 @!p0 $0xFFFFF086;
	s6 =	sadd.s32 @!p0 s3, s7;
	s7 =	simm.s32 @!p0 $0x108  }
0x21: {  	s3 =	sadd.s32 s3, s9;
	s6 =	sadd.s32 @!p0 $0x88, s6;
	s7 =	simm.s32 @p2 $0x1082  }
0x22: {  	[simem:s7], [sflag:s8] =	dma.local @!p0 [hbm:s6], $0xF7A  }
0x23: {  	s9 =	sor.u32 $0xD0000000, s2;
	s6 =	simm.s32 $0x108;
	_ =	swait.ge @!p0 [sflag:s8], $0x0  }
0x24: {  	s3 =	sadd.s32 $0x88, s3;
	s6 =	simm.s32 @!p1 $0x1082;
	[sflag:s4] =	ssyncset.s32 $0xFFFFF086  }
0x25: {  	[simem:s6], [sflag:s4] =	dma.local [hbm:s3], $0xF7A  }
0x26: {  	[smem:$0x3F9F] =	sst s1;
	(tag) =	ssettag s2;
	_ =	strace s9  }
0x27: {  	s1 =	sld [smem:$0x3FAF]  }
0x28: {  	s2 =	sld [smem:$0x3FB0]  }
0x29: {  	s4 =	sld [smem:$0x3FB2]  }
0x2a: {  	p0 =	seq.s32 s5, $0x0;
	s5 =	sld [smem:$0x3FB3]  }
0x2b: {  	s6 =	sld [smem:$0x3FB4]  }
0x2c: {  	s7 =	sld [smem:$0x3FB5]  }
0x2d: {  	s3 =	simm.s32 $0x108;
	s8 =	sld [smem:$0x3FB6]  }
0x2e: {  	s3 =	simm.s32 @!p0 $0x1082;
	s9 =	sld [smem:$0x3FB7]  }
0x2f: {  	lr =	sadd.s32 s0, s3;
	s0 =	sld [smem:$0x3FAE]  }
0x30: {  	s3 =	sld [smem:$0x3FB1]  }
0x31: {  	[smem:$0x3FBA] =	sst s10  }
0x32: {  	s10 =	sld [smem:$0x3FB8];
	_ =	sdelay $0x3  }
0x33: {  	p0 =	seq.s32 s10, $0x1;
	s10 =	sld [smem:$0x3FBA];
	_ =	sdelay $0x3  }
0x34: {  	[smem:$0x3FBA] =	sst s10  }
0x35: {  	s10 =	sld [smem:$0x3FB9];
	_ =	sdelay $0x3  }
0x36: {  	p1 =	seq.s32 s10, $0x1;
	s10 =	sld [smem:$0x3FBA];
	_ =	sdelay $0x3  }
0x37: {  	[smem:$0x3FBA] =	sst s10  }
0x38: {  	s10 =	sld [smem:$0x3FBB]  }
0x39: {  	_ = 	snop;
	(pc) =	sbr.ind lr, $3  }
0x3a: {  	_ = 	snop  }
0x3b: {  	_ = 	snop  }
0x3c: {  	p2 =	seq.s32 s10, $0x1;
	s10 =	sld [smem:$0x3FBA]  }
0x3d: {  	_ =	shalt  }
0x3e: {  	_ =	shalt  }
0x3f: {  	_ =	shalt  }
0x40: {  	_ =	shalt  }
0x41: {  	_ =	shalt  }
0x42: {  	_ =	shalt  }
0x43: {  	_ =	shalt  }
0x44: {  	_ =	shalt  }
0x45: {  	_ =	shalt  }
0x46: {  	_ =	shalt  }
0x47: {  	_ =	shalt  }
0x48: {  	_ =	shalt  }
0x49: {  	_ =	shalt  }
0x4a: {  	_ =	shalt  }
0x4b: {  	_ =	shalt  }
0x4c: {  	_ =	shalt  }
0x4d: {  	_ =	shalt  }
0x4e: {  	_ =	shalt  }
0x4f: {  	_ =	shalt  }
0x50: {  	_ =	shalt  }
0x51: {  	_ =	shalt  }
0x52: {  	_ =	shalt  }
0x53: {  	_ =	shalt  }
0x54: {  	_ =	shalt  }
0x55: {  	_ =	shalt  }
0x56: {  	_ =	shalt  }
0x57: {  	_ =	shalt  }
0x58: {  	_ =	shalt  }
0x59: {  	_ =	shalt  }
0x5a: {  	_ =	shalt  }
0x5b: {  	_ =	shalt  }
0x5c: {  	_ =	shalt  }
0x5d: {  	_ =	shalt  }
0x5e: {  	_ =	shalt  }
0x5f: {  	_ =	shalt  }
0x60: {  	_ =	shalt  }
0x61: {  	_ =	shalt  }
0x62: {  	_ =	shalt  }
0x63: {  	_ =	shalt  }
0x64: {  	_ =	shalt  }
0x65: {  	_ =	shalt  }
0x66: {  	_ =	shalt  }
0x67: {  	_ =	shalt  }
0x68: {  	_ =	shalt  }
0x69: {  	_ =	shalt  }
0x6a: {  	_ =	shalt  }
0x6b: {  	_ =	shalt  }
0x6c: {  	_ =	shalt  }
0x6d: {  	_ =	shalt  }
0x6e: {  	_ =	shalt  }
0x6f: {  	_ =	shalt  }
0x70: {  	_ =	shalt  }
0x71: {  	_ =	shalt  }
0x72: {  	_ =	shalt  }
0x73: {  	_ =	shalt  }
0x74: {  	_ =	shalt  }
0x75: {  	_ =	shalt  }
0x76: {  	_ =	shalt  }
0x77: {  	_ =	shalt  }
0x78: {  	_ =	shalt  }
0x79: {  	_ =	shalt  }
0x7a: {  	_ =	shalt  }
0x7b: {  	_ =	shalt  }
0x7c: {  	_ =	shalt  }
0x7d: {  	_ =	shalt  }
0x7e: {  	_ =	shalt  }
0x7f: {  	_ =	shalt  }
0x80: {  	_ =	shalt  }
0x81: {  	_ =	shalt  }
0x82: {  	_ =	shalt  }
0x83: {  	_ =	shalt  }
0x84: {  	_ =	shalt  }
0x85: {  	_ =	shalt  }
0x86: {  	_ =	shalt  }
0x87: {  	_ =	shalt  }
.Lfunc_end0:
.L_simem_size_0:
called_computation_lowered:
.L_overlay_start_0:
0x88: {  	s2 =	sld [smem:$0x3FD9]  }
0x89: {  	s3 =	sld [smem:$0x3FFE];
	_ =	sdelay $0x1  }
0x8a: {  	s1 =	srdreg.scid  }
0x8b: {  	s0 =	sand.u32 $0x1, s1  }
0x8c: {  	s14 =	sshll.u32 s0, $0xA;
	s2 =	sadd.s32 s3, s2  }
0x8d: {  	s2 =	sadd.s32 s2, s14  }
0x8e: {  	[smem:$0x3FC6] =	sst s2  }
0x8f: {  	_ = 	snop  }
0x90: {  	s2 =	sld [smem:$0x3FD0];
	_ =	sdelay $0x1  }
0x91: {  	s15 =	sld [smem:$0x3FC9]  }
0x92: {  	s5 =	simm.s32 $0xA;
	s6 =	simm.s32 $0x10;
	s4 =	sld [smem:$0x3FC8]  }
0x93: {  	[smem:s6], [sflag:s5] =	dma.local [hbm:s2], $0x1  }
0x94: {  	_ =	swait.eq [sflag:s5], $0x1  }
0x95: {  	[sflag:s5] =	ssyncset.done $0x0  }
0x96: {  	[sflag:s5] =	ssyncadd.s32 $0xFFFFFFFF  }
0x97: {  	s16 =	sld [smem:$0x10];
	(tm) =	ssettm $0x1  }
0x98: {  	s17 =	sld [smem:$0x3FFB];
	_ =	sdelay $0x3  }
0x99: {  	_ =	strace s17  }
0x9a: {  	s5 =	sld [smem:$0x3FFC];
	_ =	sdelay $0x3  }
0x9b: {  	_ =	strace s5  }
0x9c: {  	s5 =	sld [smem:$0x3FFD];
	_ =	sdelay $0x3  }
0x9d: {  	_ =	strace s5  }
0x9e: {  	_ =	strace $0x8FFFFFFF  }
0x9f: {  	s18 =	sld [smem:$0x3FDB];
	_ =	sdelay $0x1  }
0xa0: {  	s19 =	simm.s32 $_scs_section_size  }
0xa1: {  	s7 =	simm.s32 $_size__tile_overlayer_lowered;
	s8 =	simm.s32 $_tile_overlayer_lowered  }
0xa2: {  	s22 =	simm.s32 $0x1BFF;
	s21 =	sshll.u32 s8, $0x1;
	s5 =	sadd.s32 s19, s18  }
0xa3: {  	s9 =	simm.s32 $0x0;
	s20 =	sshll.u32 s7, $0x1;
	s7 =	sadd.s32 s21, s5  }
0xa4: {  	[timem:s9], [sflag:s22] =	dma.local [hbm:s7], s20  }
0xa5: {  	_ =	swait.ge [sflag:s22], s20  }
0xa6: {  	s6 =	ssub.s32 $0x0, s20;
	[sflag:s22] =	ssyncset.done $0x0  }
0xa7: {  	[sflag:s22] =	ssyncadd.s32 s6;
	_ =	sdelay $0x1  }
0xa8: {  	s23 =	simm.s32 $0x1B8B  }
0xa9: {  	_ =	swait.ge [sflag:s23], $0x1  }
0xaa: {  	[sflag:s23] =	ssyncset.done $0x0  }
0xab: {  	s25 =	simm.s32 $0x1B8E;
	s24 =	sld [smem:$0x3FFE];
	[sflag:s23] =	ssyncadd.s32 $0xFFFFFFFF  }
0xac: {  	s26 =	simm.s32 $execute0_lowered;
	[smem:$0x3FD2] =	sst s25  }
0xad: {  	s7 =	sshll.u32 s26, $0x1;
	_ =	strace $0x80000046;
	[dreg:$0x1] =	wrdreg $0xFFFFFFFF  }
0xae: {  	s28 =	simm.s32 $_size_execute0_lowered;
	s5 =	sadd.s32 s5, s7;
	[dreg:$0x0] =	wrdreg $0x0  }
0xaf: {  	s7 =	sshll.u32 s28, $0x1;
	[dreg:$0x2] =	wrdreg s5  }
0xb0: {  	[dreg:$0x3] =	wrdreg s7  }
0xb1: {  	[dreg:$0x4] =	wrdreg $0xC0  }
0xb2: {  	_ =	task [dreg:s9], $0x5FFFF  }
0xb3: {  	[dreg:$0x1] =	wrdreg $0xFFFFFFFF  }
0xb4: {  	[dreg:$0x0] =	wrdreg $0x60  }
0xb5: {  	[dreg:$0x2] =	wrdreg s15  }
0xb6: {  	[dreg:$0x3] =	wrdreg s4  }
0xb7: {  	[dreg:$0x4] =	wrdreg s16  }
0xb8: {  	[dreg:$0x5] =	wrdreg s24  }
0xb9: {  	[dreg:$0x6] =	wrdreg $0x9  }
0xba: {  	_ =	task.clear_ibuf [dreg:s9], $0x7FFFF;
	_ =	strace $0x90000046  }
0xbb: {  	s29 =	simm.s32 $0x9;
	_ =	strace $0x80000048  }
0xbc: {  	_ =	swait.ge [sflag:s29], $0x1  }
0xbd: {  	[sflag:s29] =	ssyncadd.s32 $0xFFFFFFFF  }
0xbe: {  	_ =	strace $0x90000048  }
0xbf: {  	_ =	sfence  }
0xc0: {  	s30 =	sld [smem:$0x0];
	_ =	sdelay $0x2  }
0xc1: {  	s31 =	sshll.u32 s1, $0xD;
	s1 =	sshrl.u32 s1, $0x2  }
0xc2: {  	s3 =	sand.u32 $0x4000, s31;
	s1 =	sadd.s32 s1, s30  }
0xc3: {  	s0 =	sor.u32 s3, s0;
	s1 =	sshll.u32 s1, $0x11  }
0xc4: {  	s0 =	sor.u32 s1, s0  }
0xc5: {  	s0 =	sadd.s32 $0x8F2B, s0  }
0xc6: {  	[sflag:s0] =	ssyncadd.remote.s32 $0x1  }
0xc7: {  	_ =	sfence.sel $0xFFFF  }
0xc8: {  	[dreg:$0x0] =	wrdreg $0xFFFFFFFF;
	(pc) =	sbr.abs _section_cstart, $3  }
0xc9: {  	[dreg:$0x1] =	wrdreg $0xFFFFFFFF  }
0xca: {  	_ =	task.clear_ibuf [dreg:s9], $0x2FFFF;
	_ =	strace $0x9FFFFFFF  }
0xcb: {  	(tm) =	ssettm $0x7FFFFFFF  }
tec
execute0_lowered:
.L_overlay_start_1:
0x0: {  	(tag) =	ssettag $0x1  }
0x1: {  	s1 =	rddreg [dreg:$0x0]  }
0x2: {  	s2 =	rddreg [dreg:$0x1]  }
0x3: {  	s6 =	rddreg [dreg:$0x2]  }
0x4: {  	s5 =	rddreg [dreg:$0x3]  }
0x5: {  	s0 =	rddreg [dreg:$0x4]  }
0x6: {  	s4 =	simm.s32 $0x0;
	s7 =	srdreg.scid;
	s3 =	stileid.u32  }
0x7: {  	s11 =	simm.s32 $0x80;
	s12 =	simm.s32 $0x400;
	s13 =	simm.s32 $0x9F00  }
0x8: {  	s14 =	simm.s32 $0x1;
	s15 =	simm.s32 $0x3;
	s17 =	simm.s32 $0x4  }
0x9: {  	s18 =	simm.s32 $0x0;
	[smem:$0x7FF] =	sst s4;
	s7 =	sand.u32 $0x1, s7  }
0xa: {  	s8 =	sshll.u32 s3, $0x4;
	_ =	strace $0x80000047;
	s9 =	ssub.s32 $0x2, s7  }
0xb: {  	s7 =	sshll.u32 s7, $0x4;
	s8 =	sand.u32 $0x70, s8;
	s10 =	sshrl.u32 s9, $0x1  }
0xc: {  	s7 =	sor.u32 s3, s7;
	s8 =	sadd.s32 s8, s5;
	s5 =	sadd.s32 $0xBA00, s1  }
0xd: {  	s9 =	ssub.s32 s9, s10;
	s29 =	sshll.u32 s7, $0x4;
	s16 =	sshll.u32 s7, $0xF  }
0xe: {  	s7 =	sshll.u32 s7, $0xC;
	s10 =	simm.s32 $0x2;
	s30 =	sand.u32 $0x180, s29  }
0xf: {  	s6 =	sadd.s32 s6, s7;
	v0 =	vmov s16;
	s16 =	simm.s32 $0xAC80;
	s31 =	sadd.s32 s30, s8  }
0x10: {  	v1 =	vimm.f32 $0.0e+00;
	s8 =	smax.u32 s9, $0x1;
	s9 =	simm.s32 $0xA880;
	s7 =	sadd.s32 $0x800, s31  }
.LBB2_1:
0x11: {  	[tilespmem:s9], [sflag:$0x2] =	stream.linear.gather [hbm4b:s2+s4], $0x300, $0x38;
	[tilespmem:$0xAD00] =	vst v63  }
0x12: {  	[tilespmem:s11+$0xFFFFFF80] =	vst v1  }
0x13: {  	[tilespmem:s11+$0x70] =	vst v1  }
0x14: {  	[tilespmem:s11+$0x60] =	vst v1  }
0x15: {  	[tilespmem:s11+$0x50] =	vst v1  }
0x16: {  	[tilespmem:s11+$0x40] =	vst v1  }
0x17: {  	[tilespmem:s11+$0x30] =	vst v1  }
0x18: {  	[tilespmem:s11+$0x20] =	vst v1  }
0x19: {  	[tilespmem:s11+$0x10] =	vst v1  }
0x1a: {  	[tilespmem:s11+$0x0] =	vst v1  }
0x1b: {  	[tilespmem:s11+$0xFFFFFFF0] =	vst v1  }
0x1c: {  	[tilespmem:s11+$0xFFFFFFE0] =	vst v1  }
0x1d: {  	[tilespmem:s11+$0xFFFFFFD0] =	vst v1  }
0x1e: {  	[tilespmem:s11+$0xFFFFFFC0] =	vst v1  }
0x1f: {  	[tilespmem:s11+$0xFFFFFFB0] =	vst v1  }
0x20: {  	s19 =	simm.s32 $0x0;
	s20 =	simm.s32 $0x80;
	[tilespmem:s11+$0xFFFFFFA0] =	vst v1  }
.LBB2_2:
0x21: {  	s19 =	sadd.s32 $0x100, s19;
	[tilespmem:s20+$0xFFFFFF90] =	vst v1;
	s20 =	sadd.s32 $0x100, s20  }
0x22: {  	[tilespmem:s20+$0xFFFFFF80] =	vst v1;
	p0 =	slt.u32 s19, $0x7F00  }
0x23: {  	[tilespmem:s20+$0x70] =	vst v1  }
0x24: {  	[tilespmem:s20+$0x60] =	vst v1  }
0x25: {  	[tilespmem:s20+$0x50] =	vst v1  }
0x26: {  	[tilespmem:s20+$0x40] =	vst v1  }
0x27: {  	[tilespmem:s20+$0x30] =	vst v1  }
0x28: {  	[tilespmem:s20+$0x20] =	vst v1  }
0x29: {  	[tilespmem:s20+$0x10] =	vst v1  }
0x2a: {  	[tilespmem:s20+$0x0] =	vst v1  }
0x2b: {  	[tilespmem:s20+$0xFFFFFFF0] =	vst v1  }
.Ltmp0:
0x2c: {  	[tilespmem:s20+$0xFFFFFFE0] =	vst v1;
	(pc) =	sbr.rel @p0 .LBB2_2-.Ltmp0, $4  }
0x2d: {  	[tilespmem:s20+$0xFFFFFFD0] =	vst v1  }
0x2e: {  	[tilespmem:s20+$0xFFFFFFC0] =	vst v1  }
0x2f: {  	[tilespmem:s20+$0xFFFFFFB0] =	vst v1  }
0x30: {  	[tilespmem:s20+$0xFFFFFFA0] =	vst v1  }
0x31: {  	[tilespmem:s20+$0xFFFFFF90] =	vst v1  }
0x32: {  	_ =	swait.ge [sflag:s10], $0x300  }
0x33: {  	[sflag:s10] =	ssyncset.done $0x0  }
0x34: {  	s19 =	simm.s32 $0x0;
	[sflag:s10] =	ssyncadd.s32 $0xFFFFFD00  }
.LBB2_4:
0x35: {  	s21 =	sshll.u32 s19, $0x7  }
0x36: {  	s24 =	sand.u32 $0x3FFFFF80, s21  }
0x37: {  	v2 =	vld [tilespmem:s24+$0xA880]  }
0x38: {  	s20 =	sshll.u32 s19, $0x4  }
0x39: {  	s23 =	simm.s32 $0x8000;
	s22 =	sadd.s32 s1, s20  }
0x3a: {  	s25 =	simm.s32 $0x8100;
	s24 =	simm.s32 $0x80;
	s26 =	sadd.s32 $0x0, s22  }
.LBB2_5:
0x3b: {  	[tilespmem:s23], [sflag:$0x1] =	stream.linear.gather [hbm4b:s26+s4], $0x80, $0x38;
	[tilespmem:$0xAD00] =	vst v63  }
0x3c: {  	s26 =	smov.u32 s24;
	s23 =	smov.u32 s25;
	p0 =	sne.s32 s24, $0xF00  }
.Ltmp1:
0x3d: {  	s24 =	sadd.s32 $0x80, s24;
	(pc) =	sbr.rel @p0 .LBB2_5-.Ltmp1, $2  }
0x3e: {  	_ =	sdelay $0x2  }
0x3f: {  	s25 =	sadd.s32 $0x100, s25;
	s26 =	sadd.s32 s26, s22  }
0x40: {  	[tilespmem:s23], [sflag:$0x1] =	stream.linear.gather [hbm4b:s26+s4], $0x80, $0x38;
	[tilespmem:$0xAD00] =	vst v63  }
0x41: {  	s20 =	sadd.s32 s20, s5  }
0x42: {  	[tilespmem:s13], [sflag:$0x3] =	stream.strided.gather [hbm4b:s20+s11], $0x980, s12, s11, $0x38;
	[tilespmem:$0xAD00] =	vst v63  }
0x43: {  	s22 =	simm.s32 $0x0;
	s20 =	sadd.s32 $0x7C00, s21;
	s21 =	sadd.s32 $0xF800, s21  }
.LBB2_7:
0x44: {  	s23 =	smul.u32 $0xF800, s22;
	_ =	sdelay $0x1  }
0x45: {  	s24 =	sadd.s32 s20, s23  }
0x46: {  	s24 =	sshrl.u32 s24, $0x3  }
0x47: {  	s25 =	simm.s32 $0x8080;
	s24 =	sadd.s32 s1, s24  }
0x48: {  	s26 =	simm.s32 $0x80;
	s28 =	simm.s32 $0x8180;
	s29 =	sadd.s32 $0x0, s24  }
.LBB2_8:
0x49: {  	[tilespmem:s25], [sflag:$0x2] =	stream.linear.gather [hbm4b:s29+s4], $0x80, $0x38;
	[tilespmem:$0xAD00] =	vst v63  }
0x4a: {  	s29 =	smov.u32 s26;
	s25 =	smov.u32 s28;
	p0 =	sne.s32 s26, $0xF00  }
.Ltmp2:
0x4b: {  	s26 =	sadd.s32 $0x80, s26;
	(pc) =	sbr.rel @p0 .LBB2_8-.Ltmp2, $2  }
0x4c: {  	_ =	sdelay $0x2  }
0x4d: {  	s28 =	sadd.s32 $0x100, s28;
	s29 =	sadd.s32 s29, s24  }
0x4e: {  	[tilespmem:s25], [sflag:$0x2] =	stream.linear.gather [hbm4b:s29+s4], $0x80, $0x38;
	[tilespmem:$0xAD00] =	vst v63  }
0x4f: {  	_ =	swait.ge [sflag:s14], $0xF80  }
0x50: {  	[sflag:s14] =	ssyncset.done $0x0  }
0x51: {  	s28 =	simm.s32 $0x8100;
	[sflag:s14] =	ssyncadd.s32 $0xFFFFF080  }
0x52: {  	v3 =	vld [tilespmem:s28+$0x0];
	_ =	sdelay $0x4  }
0x53: {  	v4 =	vsub.s32 v3, v0  }
0x54: {  	v5 =	vld [tilespmem:s28+$0xFFFFFF00];
	v3 =	vand.u32 $0x7F, v3;
	vm0 =	vlt.u32 v4, $0x8000;
	v4 =	vand.u32 $0xFFFFFF80, v4  }
0x55: {  	v3 =	vor.u32 v3, v4;
	_ =	sdelay $0x3  }
0x56: {  	v4 =	vsub.s32 v5, v0  }
0x57: {  	v5 =	vand.u32 $0x7F, v5;
	vm1 =	vlt.u32 v4, $0x8000;
	v4 =	vand.u32 $0xFFFFFF80, v4;
	[tilespmem:v3+s4+$0x0] =	vst.idx.msk vm0, v2  }
0x58: {  	v3 =	vor.u32 v5, v4;
	v4 =	vld [tilespmem:s28+$0x10];
	_ =	sdelay $0x4  }
0x59: {  	[tilespmem:v3+s4+$0x0] =	vst.idx.msk vm1, v2;
	v3 =	vsub.s32 v4, v0  }
0x5a: {  	v5 =	vld [tilespmem:s28+$0xFFFFFF10];
	v4 =	vand.u32 $0x7F, v4;
	vm0 =	vlt.u32 v3, $0x8000;
	v3 =	vand.u32 $0xFFFFFF80, v3  }
0x5b: {  	v3 =	vor.u32 v4, v3;
	_ =	sdelay $0x1  }
0x5c: {  	s24 =	simm.s32 $0x8300  }
0x5d: {  	v4 =	vld [tilespmem:s24+$0x0]  }
0x5e: {  	v6 =	vsub.s32 v5, v0  }
0x5f: {  	v5 =	vand.u32 $0x7F, v5;
	vm1 =	vlt.u32 v6, $0x8000;
	v6 =	vand.u32 $0xFFFFFF80, v6;
	[tilespmem:v3+s4+$0x0] =	vst.idx.msk vm0, v2  }
0x60: {  	v3 =	vor.u32 v5, v6;
	v5 =	vld [tilespmem:s28+$0x20];
	_ =	sdelay $0x1  }
0x61: {  	v6 =	vsub.s32 v4, v0  }
0x62: {  	v7 =	vld [tilespmem:s24+$0xFFFFFF00];
	v4 =	vand.u32 $0x7F, v4;
	vm0 =	vlt.u32 v6, $0x8000;
	v6 =	vand.u32 $0xFFFFFF80, v6  }
0x63: {  	v4 =	vor.u32 v4, v6  }
0x64: {  	[tilespmem:v3+s4+$0x0] =	vst.idx.msk vm1, v2;
	v3 =	vsub.s32 v5, v0  }
0x65: {  	v6 =	vld [tilespmem:s28+$0xFFFFFF20];
	v5 =	vand.u32 $0x7F, v5;
	vm1 =	vlt.u32 v3, $0x8000;
	v3 =	vand.u32 $0xFFFFFF80, v3  }
0x66: {  	v3 =	vor.u32 v5, v3  }
0x67: {  	v5 =	vsub.s32 v7, v0  }
0x68: {  	[tilespmem:v4+s4+$0x0] =	vst.idx.msk vm0, v2;
	v4 =	vand.u32 $0x7F, v7;
	vm0 =	vlt.u32 v5, $0x8000;
	v5 =	vand.u32 $0xFFFFFF80, v5  }
0x69: {  	v7 =	vld [tilespmem:s24+$0x10];
	v4 =	vor.u32 v4, v5  }
0x6a: {  	v8 =	vsub.s32 v6, v0  }
0x6b: {  	v6 =	vand.u32 $0x7F, v6;
	v5 =	vand.u32 $0xFFFFFF80, v8;
	[tilespmem:v3+s4+$0x0] =	vst.idx.msk vm1, v2;
	vm1 =	vlt.u32 v8, $0x8000  }
0x6c: {  	v3 =	vor.u32 v6, v5;
	v5 =	vld [tilespmem:s28+$0x30];
	_ =	sdelay $0x1  }
0x6d: {  	v6 =	vsub.s32 v7, v0;
	[tilespmem:v4+s4+$0x0] =	vst.idx.msk vm0, v2  }
0x6e: {  	vm0 =	vlt.u32 v6, $0x8000;
	v4 =	vand.u32 $0x7F, v7;
	v6 =	vand.u32 $0xFFFFFF80, v6;
	v7 =	vld [tilespmem:s24+$0xFFFFFF10]  }
0x6f: {  	v4 =	vor.u32 v4, v6  }
0x70: {  	v6 =	vsub.s32 v5, v0;
	[tilespmem:v3+s4+$0x0] =	vst.idx.msk vm1, v2  }
0x71: {  	v5 =	vand.u32 $0x7F, v5;
	v3 =	vand.u32 $0xFFFFFF80, v6;
	v8 =	vld [tilespmem:s28+$0xFFFFFF30];
	vm1 =	vlt.u32 v6, $0x8000  }
0x72: {  	s25 =	simm.s32 $0x8500;
	v3 =	vor.u32 v5, v3  }
0x73: {  	v5 =	vld [tilespmem:s25+$0x0];
	v6 =	vsub.s32 v7, v0  }
0x74: {  	[tilespmem:v4+s4+$0x0] =	vst.idx.msk vm0, v2;
	v4 =	vand.u32 $0x7F, v7;
	vm0 =	vlt.u32 v6, $0x8000;
	v6 =	vand.u32 $0xFFFFFF80, v6  }
0x75: {  	v7 =	vld [tilespmem:s24+$0x20];
	v4 =	vor.u32 v4, v6  }
0x76: {  	v9 =	vsub.s32 v8, v0  }
0x77: {  	v8 =	vand.u32 $0x7F, v8;
	v6 =	vand.u32 $0xFFFFFF80, v9;
	vm2 =	vlt.u32 v9, $0x8000;
	[tilespmem:v3+s4+$0x0] =	vst.idx.msk vm1, v2  }
0x78: {  	v3 =	vor.u32 v8, v6;
	v6 =	vld [tilespmem:s28+$0x40];
	v8 =	vsub.s32 v5, v0  }
0x79: {  	v5 =	vand.u32 $0x7F, v5;
	v9 =	vand.u32 $0xFFFFFF80, v8  }
0x7a: {  	v10 =	vld [tilespmem:s25+$0xFFFFFF00];
	vm1 =	vlt.u32 v8, $0x8000;
	v8 =	vsub.s32 v7, v0;
	[tilespmem:v4+s4+$0x0] =	vst.idx.msk vm0, v2;
	v4 =	vand.u32 $0x7F, v7  }
0x7b: {  	v5 =	vor.u32 v5, v9;
	vm0 =	vlt.u32 v8, $0x8000;
	v7 =	vand.u32 $0xFFFFFF80, v8  }
0x7c: {  	v8 =	vld [tilespmem:s24+$0xFFFFFF20];
	v4 =	vor.u32 v4, v7  }
0x7d: {  	[tilespmem:v3+s4+$0x0] =	vst.idx.msk vm2, v2;
	v3 =	vsub.s32 v6, v0  }
0x7e: {  	v6 =	vand.u32 $0x7F, v6;
	v7 =	vld [tilespmem:s28+$0xFFFFFF40];
	v9 =	vand.u32 $0xFFFFFF80, v3;
	vm2 =	vlt.u32 v3, $0x8000  }
0x7f: {  	v3 =	vor.u32 v6, v9;
	v6 =	vsub.s32 v10, v0  }
0x80: {  	v9 =	vand.u32 $0x7F, v10;
	[tilespmem:v5+s4+$0x0] =	vst.idx.msk vm1, v2;
	v10 =	vand.u32 $0xFFFFFF80, v6  }
0x81: {  	v5 =	vsub.s32 v8, v0;
	vm1 =	vlt.u32 v6, $0x8000;
	[tilespmem:v4+s4+$0x0] =	vst.idx.msk vm0, v2;
	v6 =	vor.u32 v9, v10;
	v9 =	vld [tilespmem:s25+$0x10]  }
0x82: {  	v8 =	vand.u32 $0x7F, v8;
	v4 =	vand.u32 $0xFFFFFF80, v5;
	vm0 =	vlt.u32 v5, $0x8000;
	v5 =	vld [tilespmem:s24+$0x30]  }
0x83: {  	v4 =	vor.u32 v8, v4;
	v8 =	vsub.s32 v7, v0  }
0x84: {  	v7 =	vand.u32 $0x7F, v7;
	vm3 =	vlt.u32 v8, $0x8000;
	v8 =	vand.u32 $0xFFFFFF80, v8;
	[tilespmem:v3+s4+$0x0] =	vst.idx.msk vm2, v2  }
0x85: {  	v3 =	vor.u32 v7, v8;
	v7 =	vld [tilespmem:s28+$0x50];
	_ =	sdelay $0x1  }
0x86: {  	v8 =	vsub.s32 v9, v0;
	[tilespmem:v6+s4+$0x0] =	vst.idx.msk vm1, v2;
	v6 =	vsub.s32 v5, v0;
	v9 =	vand.u32 $0x7F, v9  }
0x87: {  	[tilespmem:v4+s4+$0x0] =	vst.idx.msk vm0, v2;
	v5 =	vand.u32 $0x7F, v5;
	vm1 =	vlt.u32 v8, $0x8000;
	v10 =	vld [tilespmem:s25+$0xFFFFFF10];
	v8 =	vand.u32 $0xFFFFFF80, v8  }
0x88: {  	v4 =	vand.u32 $0xFFFFFF80, v6;
	vm0 =	vlt.u32 v6, $0x8000;
	v8 =	vor.u32 v9, v8;
	v9 =	vld [tilespmem:s24+$0xFFFFFF30]  }
0x89: {  	v4 =	vor.u32 v5, v4;
	[tilespmem:v3+s4+$0x0] =	vst.idx.msk vm3, v2;
	v3 =	vsub.s32 v7, v0  }
0x8a: {  	v6 =	vand.u32 $0x7F, v7;
	v5 =	vld [tilespmem:s28+$0xFFFFFF50];
	vm2 =	vlt.u32 v3, $0x8000;
	v3 =	vand.u32 $0xFFFFFF80, v3  }
0x8b: {  	s26 =	simm.s32 $0x8700;
	v3 =	vor.u32 v6, v3  }
0x8c: {  	v7 =	vld [tilespmem:s26+$0x0];
	v6 =	vsub.s32 v10, v0  }
0x8d: {  	v10 =	vand.u32 $0x7F, v10;
	v11 =	vand.u32 $0xFFFFFF80, v6;
	v12 =	vsub.s32 v9, v0;
	[tilespmem:v8+s4+$0x0] =	vst.idx.msk vm1, v2  }
0x8e: {  	vm1 =	vlt.u32 v6, $0x8000;
	[tilespmem:v4+s4+$0x0] =	vst.idx.msk vm0, v2;
	v4 =	vand.u32 $0x7F, v9;
	v6 =	vor.u32 v10, v11;
	v10 =	vld [tilespmem:s25+$0x20]  }
0x8f: {  	v8 =	vand.u32 $0xFFFFFF80, v12;
	vm0 =	vlt.u32 v12, $0x8000;
	v11 =	vld [tilespmem:s24+$0x40];
	v9 =	vsub.s32 v5, v0  }
0x90: {  	v4 =	vor.u32 v4, v8;
	v5 =	vand.u32 $0x7F, v5;
	v8 =	vand.u32 $0xFFFFFF80, v9;
	[tilespmem:v3+s4+$0x0] =	vst.idx.msk vm2, v2  }
0x91: {  	vm2 =	vlt.u32 v9, $0x8000;
	v3 =	vor.u32 v5, v8;
	v5 =	vsub.s32 v7, v0;
	v8 =	vld [tilespmem:s28+$0x60]  }
0x92: {  	v7 =	vand.u32 $0x7F, v7;
	vm3 =	vlt.u32 v5, $0x8000;
	v5 =	vand.u32 $0xFFFFFF80, v5  }
0x93: {  	v9 =	vld [tilespmem:s26+$0xFFFFFF00];
	v5 =	vor.u32 v7, v5;
	v7 =	vsub.s32 v10, v0;
	v10 =	vand.u32 $0x7F, v10  }
0x94: {  	[tilespmem:v6+s4+$0x0] =	vst.idx.msk vm1, v2;
	vm1 =	vlt.u32 v7, $0x8000;
	v6 =	vand.u32 $0xFFFFFF80, v7;
	v7 =	vsub.s32 v11, v0  }
0x95: {  	v60 =	vld [tilespmem:s25+$0xFFFFFF20];
	[tilespmem:v4+s4+$0x0] =	vst.idx.msk vm0, v2;
	v4 =	vor.u32 v10, v6;
	v6 =	vand.u32 $0xFFFFFF80, v7;
	v10 =	vand.u32 $0x7F, v11  }
0x96: {  	v11 =	vld [tilespmem:s24+$0xFFFFFF40];
	vm0 =	vlt.u32 v7, $0x8000;
	v6 =	vor.u32 v10, v6;
	v7 =	vsub.s32 v8, v0  }
0x97: {  	[tilespmem:v3+s4+$0x0] =	vst.idx.msk vm2, v2;
	vm2 =	vlt.u32 v7, $0x8000;
	v3 =	vand.u32 $0xFFFFFF80, v7;
	v7 =	vand.u32 $0x7F, v8  }
0x98: {  	v10 =	vsub.s32 v9, v0;
	v8 =	vld [tilespmem:s28+$0xFFFFFF60];
	v3 =	vor.u32 v7, v3  }
0x99: {  	v7 =	vand.u32 $0x7F, v9;
	v9 =	vand.u32 $0xFFFFFF80, v10;
	[tilespmem:v5+s4+$0x0] =	vst.idx.msk vm3, v2;
	vm3 =	vlt.u32 v10, $0x8000  }
0x9a: {  	v5 =	vsub.s32 v60, v0;
	v10 =	vand.u32 $0x7F, v60;
	v7 =	vor.u32 v7, v9;
	v9 =	vld [tilespmem:s26+$0x10]  }
0x9b: {  	[tilespmem:v4+s4+$0x0] =	vst.idx.msk vm1, v2;
	v4 =	vand.u32 $0xFFFFFF80, v5;
	v13 =	vsub.s32 v11, v0;
	vm1 =	vlt.u32 v5, $0x8000  }
0x9c: {  	v61 =	vld [tilespmem:s25+$0x30];
	v4 =	vor.u32 v10, v4;
	vm4 =	vlt.u32 v13, $0x8000;
	[tilespmem:v6+s4+$0x0] =	vst.idx.msk vm0, v2  }
0x9d: {  	v5 =	vand.u32 $0xFFFFFF80, v13;
	v6 =	vand.u32 $0x7F, v11;
	v10 =	vld [tilespmem:s24+$0x50];
	v11 =	vsub.s32 v8, v0;
	[tilespmem:v3+s4+$0x0] =	vst.idx.msk vm2, v2  }
0x9e: {  	v3 =	vor.u32 v6, v5;
	v5 =	vand.u32 $0x7F, v8;
	v6 =	vand.u32 $0xFFFFFF80, v11;
	v62 =	vld [tilespmem:s28+$0x70]  }
0x9f: {  	vm5 =	vlt.u32 v11, $0x8000;
	v8 =	vsub.s32 v9, v0;
	v6 =	vor.u32 v5, v6  }
0xa0: {  	[tilespmem:v7+s4+$0x0] =	vst.idx.msk vm3, v2;
	v5 =	vand.u32 $0x7F, v9;
	vm3 =	vlt.u32 v8, $0x8000;
	v8 =	vand.u32 $0xFFFFFF80, v8  }
0xa1: {  	v14 =	vld [tilespmem:s26+$0xFFFFFF10];
	v7 =	vsub.s32 v61, v0;
	v12 =	vand.u32 $0x7F, v61;
	v9 =	vor.u32 v5, v8;
	[tilespmem:v4+s4+$0x0] =	vst.idx.msk vm1, v2  }
0xa2: {  	v11 =	vand.u32 $0xFFFFFF80, v7;
	vm2 =	vlt.u32 v7, $0x8000;
	v4 =	vsub.s32 v10, v0;
	v8 =	vld [tilespmem:s25+$0xFFFFFF30]  }
0xa3: {  	v63 =	vand.u32 $0x7F, v10;
	v7 =	vor.u32 v12, v11;
	[tilespmem:v3+s4+$0x0] =	vst.idx.msk vm4, v2;
	v5 =	vsub.s32 v62, v0  }
0xa4: {  	v10 =	vand.u32 $0x7F, v62;
	vm0 =	vlt.u32 v5, $0x8000;
	v3 =	vand.u32 $0xFFFFFF80, v5;
	v5 =	vld [tilespmem:s24+$0xFFFFFF50]  }
0xa5: {  	vm1 =	vlt.u32 v4, $0x8000;
	[tilespmem:v6+s4+$0x0] =	vst.idx.msk vm5, v2;
	v6 =	vand.u32 $0xFFFFFF80, v4;
	v3 =	vor.u32 v10, v3  }
0xa6: {  	s29 =	simm.s32 $0x300;
	v4 =	vld [tilespmem:s28+$0xFFFFFF70];
	v11 =	vsub.s32 v14, v0;
	s28 =	simm.s32 $0x8900;
	v6 =	vor.u32 v63, v6;
	v10 =	vand.u32 $0x7F, v14  }
.LBB2_10:
0xa7: {  	v12 =	vld [tilespmem:s28+$0x0];
	vm4 =	vlt.u32 v11, $0x8000;
	v11 =	vand.u32 $0xFFFFFF80, v11;
	v13 =	vsub.s32 v8, v0  }
0xa8: {  	v8 =	vand.u32 $0x7F, v8;
	v14 =	vld [tilespmem:s28+$0xFFFFFF00];
	v10 =	vor.u32 v10, v11;
	[tilespmem:v9+s4+$0x0] =	vst.idx.msk vm3, v2;
	v9 =	vand.u32 $0xFFFFFF80, v13  }
0xa9: {  	vm3 =	vlt.u32 v13, $0x8000;
	v11 =	vld [tilespmem:s26+$0x20];
	v8 =	vor.u32 v8, v9;
	[tilespmem:v7+s4+$0x0] =	vst.idx.msk vm2, v2;
	v7 =	vsub.s32 v5, v0  }
0xaa: {  	v5 =	vand.u32 $0x7F, v5;
	v9 =	vld [tilespmem:s25+$0x40];
	vm2 =	vlt.u32 v7, $0x8000;
	v7 =	vand.u32 $0xFFFFFF80, v7;
	[tilespmem:v3+s4+$0x0] =	vst.idx.msk vm0, v2  }
0xab: {  	v3 =	vor.u32 v5, v7;
	[tilespmem:v6+s4+$0x0] =	vst.idx.msk vm1, v2;
	v5 =	vsub.s32 v4, v0;
	v4 =	vand.u32 $0x7F, v4  }
0xac: {  	v6 =	vsub.s32 v12, v0;
	v7 =	vld [tilespmem:s24+$0x60];
	vm0 =	vlt.u32 v5, $0x8000;
	v5 =	vand.u32 $0xFFFFFF80, v5  }
0xad: {  	v12 =	vand.u32 $0x7F, v12;
	vm1 =	vlt.u32 v6, $0x8000;
	v6 =	vand.u32 $0xFFFFFF80, v6;
	[tilespmem:v10+s4+$0x0] =	vst.idx.msk vm4, v2  }
0xae: {  	v6 =	vor.u32 v12, v6;
	v10 =	vld [tilespmem:s26+$0xFFFFFF20];
	v12 =	vsub.s32 v11, v0;
	v11 =	vand.u32 $0x7F, v11  }
0xaf: {  	s29 =	sadd.s32 $0x100, s29;
	vm4 =	vlt.u32 v12, $0x8000;
	v12 =	vand.u32 $0xFFFFFF80, v12;
	[tilespmem:v8+s4+$0x0] =	vst.idx.msk vm3, v2;
	v8 =	vsub.s32 v9, v0  }
0xb0: {  	p0 =	slt.u32 s29, $0xE00;
	v9 =	vand.u32 $0x7F, v9;
	v11 =	vor.u32 v11, v12;
	v12 =	vld [tilespmem:s25+$0xFFFFFF40];
	v13 =	vand.u32 $0xFFFFFF80, v8;
	[tilespmem:v3+s4+$0x0] =	vst.idx.msk vm2, v2  }
0xb1: {  	vm3 =	vlt.u32 v8, $0x8000;
	v3 =	vor.u32 v9, v13;
	v8 =	vld [tilespmem:s24+$0xFFFFFF60];
	v9 =	vsub.s32 v7, v0  }
0xb2: {  	v7 =	vand.u32 $0x7F, v7;
	vm2 =	vlt.u32 v9, $0x8000;
	v9 =	vand.u32 $0xFFFFFF80, v9  }
0xb3: {  	v13 =	vsub.s32 v14, v0;
	v14 =	vand.u32 $0x7F, v14;
	v7 =	vor.u32 v7, v9  }
0xb4: {  	vm5 =	vlt.u32 v13, $0x8000;
	v9 =	vand.u32 $0xFFFFFF80, v13;
	[tilespmem:v6+s4+$0x0] =	vst.idx.msk vm1, v2;
	v6 =	vsub.s32 v10, v0  }
0xb5: {  	v9 =	vor.u32 v14, v9;
	v10 =	vand.u32 $0x7F, v10;
	v13 =	vld [tilespmem:s28+$0x10];
	v14 =	vand.u32 $0xFFFFFF80, v6;
	[tilespmem:v11+s4+$0x0] =	vst.idx.msk vm4, v2  }
0xb6: {  	vm4 =	vlt.u32 v6, $0x8000;
	v11 =	vsub.s32 v12, v0;
	v6 =	vor.u32 v10, v14;
	v10 =	vld [tilespmem:s26+$0x30]  }
0xb7: {  	v12 =	vand.u32 $0x7F, v12;
	vm1 =	vlt.u32 v11, $0x8000;
	v11 =	vand.u32 $0xFFFFFF80, v11;
	[tilespmem:v3+s4+$0x0] =	vst.idx.msk vm3, v2  }
0xb8: {  	v3 =	vor.u32 v12, v11;
	v12 =	vsub.s32 v8, v0;
	v8 =	vand.u32 $0x7F, v8;
	v11 =	vld [tilespmem:s25+$0x50];
	[tilespmem:v7+s4+$0x0] =	vst.idx.msk vm2, v2  }
0xb9: {  	v4 =	vor.u32 v4, v5;
	vm6 =	vlt.u32 v12, $0x8000;
	v7 =	vand.u32 $0xFFFFFF80, v12;
	v12 =	vld [tilespmem:s24+$0x70]  }
0xba: {  	v14 =	vor.u32 v8, v7;
	[tilespmem:v9+s4+$0x0] =	vst.idx.msk vm5, v2;
	v5 =	vsub.s32 v13, v0  }
0xbb: {  	v7 =	vand.u32 $0x7F, v13;
	v15 =	vld [tilespmem:s28+$0xFFFFFF10];
	vm3 =	vlt.u32 v5, $0x8000;
	v13 =	vsub.s32 v10, v0  }
0xbc: {  	v5 =	vand.u32 $0xFFFFFF80, v5;
	v10 =	vand.u32 $0x7F, v10;
	[tilespmem:v6+s4+$0x0] =	vst.idx.msk vm4, v2;
	v6 =	vand.u32 $0xFFFFFF80, v13  }
.Ltmp3:
0xbd: {  	v9 =	vor.u32 v7, v5;
	vm2 =	vlt.u32 v13, $0x8000;
	v8 =	vld [tilespmem:s26+$0xFFFFFF30];
	v7 =	vor.u32 v10, v6;
	[tilespmem:v3+s4+$0x0] =	vst.idx.msk vm1, v2;
	(pc) =	sbr.rel @p0 .LBB2_10-.Ltmp3, $4  }
0xbe: {  	v3 =	vsub.s32 v11, v0;
	v6 =	vand.u32 $0x7F, v11;
	v5 =	vld [tilespmem:s25+$0xFFFFFF50];
	v10 =	vsub.s32 v12, v0;
	[tilespmem:v4+s4+$0x0] =	vst.idx.msk vm0, v2  }
0xbf: {  	v11 =	vand.u32 $0x7F, v12;
	[tilespmem:v14+s4+$0x0] =	vst.idx.msk vm6, v2;
	vm0 =	vlt.u32 v10, $0x8000;
	v10 =	vand.u32 $0xFFFFFF80, v10  }
0xc0: {  	vm1 =	vlt.u32 v3, $0x8000;
	v12 =	vand.u32 $0xFFFFFF80, v3;
	v4 =	vld [tilespmem:s24+$0xFFFFFF70];
	v3 =	vor.u32 v11, v10;
	s24 =	smov.u32 s25;
	s25 =	smov.u32 s26;
	s26 =	smov.u32 s28  }
0xc1: {  	v6 =	vor.u32 v6, v12;
	v11 =	vsub.s32 v15, v0;
	v10 =	vand.u32 $0x7F, v15;
	s28 =	sadd.s32 $0x200, s28  }
0xc2: {  	_ = 	snop  }
0xc3: {  	vm4 =	vlt.u32 v11, $0x8000;
	v36 =	vand.u32 $0xFFFFFF80, v11  }
0xc4: {  	v10 =	vor.u32 v10, v36;
	_ =	sdelay $0x2  }
0xc5: {  	[tilespmem:v9+s4+$0x0] =	vst.idx.msk vm3, v2  }
0xc6: {  	v9 =	vld [tilespmem:s26+$0x20]  }
0xc7: {  	[tilespmem:v10+s4+$0x0] =	vst.idx.msk vm4, v2  }
0xc8: {  	v10 =	vld [tilespmem:s26+$0xFFFFFF20];
	_ =	sdelay $0x2  }
0xc9: {  	v37 =	vsub.s32 v9, v0  }
0xca: {  	v9 =	vand.u32 $0x7F, v9;
	vm8 =	vlt.u32 v37, $0x8000;
	v11 =	vand.u32 $0xFFFFFF80, v37  }
0xcb: {  	v9 =	vor.u32 v9, v11;
	v38 =	vsub.s32 v10, v0  }
0xcc: {  	v10 =	vand.u32 $0x7F, v10;
	v12 =	vand.u32 $0xFFFFFF80, v38;
	vm9 =	vlt.u32 v38, $0x8000  }
0xcd: {  	v10 =	vor.u32 v10, v12;
	_ =	sdelay $0x2  }
0xce: {  	[tilespmem:v9+s4+$0x0] =	vst.idx.msk vm8, v2  }
0xcf: {  	v9 =	vld [tilespmem:s26+$0x30]  }
0xd0: {  	[tilespmem:v10+s4+$0x0] =	vst.idx.msk vm9, v2  }
0xd1: {  	v10 =	vld [tilespmem:s26+$0xFFFFFF30]  }
0xd2: {  	v39 =	vsub.s32 v8, v0  }
0xd3: {  	v41 =	vand.u32 $0x7F, v8;
	v40 =	vand.u32 $0xFFFFFF80, v39;
	vm10 =	vlt.u32 v39, $0x8000  }
0xd4: {  	v8 =	vor.u32 v41, v40;
	v42 =	vsub.s32 v9, v0  }
0xd5: {  	v9 =	vand.u32 $0x7F, v9;
	v43 =	vand.u32 $0xFFFFFF80, v42;
	vm11 =	vlt.u32 v42, $0x8000  }
0xd6: {  	v9 =	vor.u32 v9, v43;
	v44 =	vsub.s32 v10, v0  }
0xd7: {  	[tilespmem:v7+s4+$0x0] =	vst.idx.msk vm2, v2;
	v10 =	vand.u32 $0x7F, v10;
	v45 =	vand.u32 $0xFFFFFF80, v44;
	vm12 =	vlt.u32 v44, $0x8000  }
0xd8: {  	v46 =	vld [tilespmem:s25+$0x40];
	v7 =	vor.u32 v10, v45  }
0xd9: {  	[tilespmem:v8+s4+$0x0] =	vst.idx.msk vm10, v2  }
0xda: {  	v8 =	vld [tilespmem:s25+$0xFFFFFF40]  }
0xdb: {  	[tilespmem:v9+s4+$0x0] =	vst.idx.msk vm11, v2  }
0xdc: {  	v9 =	vld [tilespmem:s26+$0x40]  }
0xdd: {  	v47 =	vsub.s32 v46, v0;
	[tilespmem:v7+s4+$0x0] =	vst.idx.msk vm12, v2  }
0xde: {  	v48 =	vand.u32 $0xFFFFFF80, v47;
	vm13 =	vlt.u32 v47, $0x8000;
	v11 =	vand.u32 $0x7F, v46;
	v49 =	vld [tilespmem:s26+$0xFFFFFF40]  }
0xdf: {  	v50 =	vsub.s32 v8, v0;
	v7 =	vor.u32 v11, v48  }
0xe0: {  	v8 =	vand.u32 $0x7F, v8;
	vm14 =	vlt.u32 v50, $0x8000;
	v11 =	vand.u32 $0xFFFFFF80, v50  }
0xe1: {  	v51 =	vsub.s32 v9, v0;
	v8 =	vor.u32 v8, v11  }
0xe2: {  	v9 =	vand.u32 $0x7F, v9;
	v52 =	vand.u32 $0xFFFFFF80, v51;
	vm15 =	vlt.u32 v51, $0x8000  }
0xe3: {  	v9 =	vor.u32 v9, v52;
	v53 =	vsub.s32 v49, v0  }
0xe4: {  	[tilespmem:v7+s4+$0x0] =	vst.idx.msk vm13, v2;
	v10 =	vand.u32 $0x7F, v49;
	vm8 =	vlt.u32 v53, $0x8000;
	v54 =	vand.u32 $0xFFFFFF80, v53  }
0xe5: {  	v55 =	vld [tilespmem:s25+$0x50];
	v7 =	vor.u32 v10, v54  }
0xe6: {  	[tilespmem:v8+s4+$0x0] =	vst.idx.msk vm14, v2  }
0xe7: {  	v8 =	vld [tilespmem:s25+$0xFFFFFF50]  }
0xe8: {  	v56 =	vsub.s32 v5, v0;
	[tilespmem:v9+s4+$0x0] =	vst.idx.msk vm15, v2  }
0xe9: {  	v58 =	vand.u32 $0x7F, v5;
	v57 =	vand.u32 $0xFFFFFF80, v56;
	vm9 =	vlt.u32 v56, $0x8000;
	v59 =	vld [tilespmem:s26+$0x50]  }
0xea: {  	v5 =	vor.u32 v58, v57;
	v60 =	vsub.s32 v55, v0;
	[tilespmem:v7+s4+$0x0] =	vst.idx.msk vm8, v2  }
0xeb: {  	v61 =	vand.u32 $0x7F, v55;
	vm10 =	vlt.u32 v60, $0x8000;
	v9 =	vand.u32 $0xFFFFFF80, v60;
	v62 =	vld [tilespmem:s26+$0xFFFFFF50]  }
0xec: {  	v63 =	vsub.s32 v8, v0;
	v7 =	vor.u32 v61, v9  }
0xed: {  	v8 =	vand.u32 $0x7F, v8;
	vm11 =	vlt.u32 v63, $0x8000;
	v9 =	vand.u32 $0xFFFFFF80, v63  }
0xee: {  	[tilespmem:v6+s4+$0x0] =	vst.idx.msk vm1, v2;
	v14 =	vsub.s32 v59, v0;
	v13 =	vor.u32 v8, v9  }
0xef: {  	v15 =	vld [tilespmem:s24+$0x60];
	[tilespmem:v5+s4+$0x0] =	vst.idx.msk vm9, v2;
	v16 =	vand.u32 $0x7F, v59;
	vm12 =	vlt.u32 v14, $0x8000;
	v8 =	vand.u32 $0xFFFFFF80, v14  }
0xf0: {  	v19 =	vld [tilespmem:s24+$0xFFFFFF60];
	v17 =	vor.u32 v16, v8;
	v18 =	vsub.s32 v62, v0  }
0xf1: {  	[tilespmem:v7+s4+$0x0] =	vst.idx.msk vm10, v2;
	v21 =	vand.u32 $0x7F, v62;
	vm13 =	vlt.u32 v18, $0x8000;
	v20 =	vand.u32 $0xFFFFFF80, v18  }
0xf2: {  	v22 =	vld [tilespmem:s25+$0x60];
	v7 =	vor.u32 v21, v20  }
0xf3: {  	[tilespmem:v13+s4+$0x0] =	vst.idx.msk vm11, v2  }
0xf4: {  	v23 =	vsub.s32 v15, v0;
	v24 =	vld [tilespmem:s25+$0xFFFFFF60]  }
0xf5: {  	v6 =	vand.u32 $0xFFFFFF80, v23;
	v26 =	vsub.s32 v19, v0;
	v27 =	vand.u32 $0x7F, v19;
	[tilespmem:v17+s4+$0x0] =	vst.idx.msk vm12, v2  }
0xf6: {  	vm14 =	vlt.u32 v23, $0x8000;
	vm15 =	vlt.u32 v26, $0x8000;
	v9 =	vand.u32 $0x7F, v15;
	v28 =	vld [tilespmem:s26+$0x60]  }
0xf7: {  	v25 =	vor.u32 v9, v6;
	v6 =	vand.u32 $0xFFFFFF80, v26;
	v29 =	vsub.s32 v22, v0;
	[tilespmem:v7+s4+$0x0] =	vst.idx.msk vm13, v2  }
0xf8: {  	v6 =	vor.u32 v27, v6;
	v10 =	vand.u32 $0x7F, v22;
	vm8 =	vlt.u32 v29, $0x8000;
	v7 =	vld [tilespmem:s26+$0xFFFFFF60]  }
0xf9: {  	v30 =	vand.u32 $0xFFFFFF80, v29;
	v31 =	vsub.s32 v24, v0;
	v8 =	vand.u32 $0x7F, v24  }
0xfa: {  	v9 =	vor.u32 v10, v30;
	v32 =	vand.u32 $0xFFFFFF80, v31;
	vm9 =	vlt.u32 v31, $0x8000  }
0xfb: {  	v34 =	vsub.s32 v28, v0;
	v33 =	vor.u32 v8, v32  }
0xfc: {  	[tilespmem:v25+s4+$0x0] =	vst.idx.msk vm14, v2;
	v11 =	vand.u32 $0x7F, v28;
	vm10 =	vlt.u32 v34, $0x8000;
	v8 =	vand.u32 $0xFFFFFF80, v34  }
0xfd: {  	v35 =	vld [tilespmem:s24+$0x70];
	[tilespmem:v6+s4+$0x0] =	vst.idx.msk vm15, v2;
	v36 =	vor.u32 v11, v8;
	v37 =	vsub.s32 v7, v0  }
0xfe: {  	v38 =	vld [tilespmem:s24+$0xFFFFFF70];
	v7 =	vand.u32 $0x7F, v7;
	vm5 =	vlt.u32 v37, $0x8000;
	v8 =	vand.u32 $0xFFFFFF80, v37  }
0xff: {  	v39 =	vsub.s32 v4, v0;
	[tilespmem:v9+s4+$0x0] =	vst.idx.msk vm8, v2;
	v7 =	vor.u32 v7, v8  }
0x100: {  	v40 =	vand.u32 $0x7F, v4;
	v41 =	vand.u32 $0xFFFFFF80, v39;
	v9 =	vld [tilespmem:s25+$0x70];
	[tilespmem:v33+s4+$0x0] =	vst.idx.msk vm9, v2  }
0x101: {  	v4 =	vor.u32 v40, v41;
	v43 =	vld [tilespmem:s25+$0xFFFFFF70]  }
0x102: {  	vm11 =	vlt.u32 v39, $0x8000;
	v42 =	vsub.s32 v35, v0;
	v44 =	vand.u32 $0x7F, v35;
	[tilespmem:v36+s4+$0x0] =	vst.idx.msk vm10, v2  }
0x103: {  	vm12 =	vlt.u32 v42, $0x8000;
	v5 =	vand.u32 $0xFFFFFF80, v42;
	v45 =	vsub.s32 v38, v0;
	v46 =	vld [tilespmem:s26+$0x70]  }
0x104: {  	v47 =	vand.u32 $0x7F, v38;
	v5 =	vor.u32 v44, v5;
	v48 =	vand.u32 $0xFFFFFF80, v45;
	[tilespmem:v7+s4+$0x0] =	vst.idx.msk vm5, v2  }
0x105: {  	vm13 =	vlt.u32 v45, $0x8000;
	v6 =	vor.u32 v47, v48;
	v49 =	vsub.s32 v9, v0;
	v50 =	vld [tilespmem:s26+$0xFFFFFF70]  }
0x106: {  	v9 =	vand.u32 $0x7F, v9;
	vm14 =	vlt.u32 v49, $0x8000;
	v51 =	vsub.s32 v43, v0  }
0x107: {  	v8 =	vand.u32 $0x7F, v43;
	v7 =	vand.u32 $0xFFFFFF80, v49;
	vm15 =	vlt.u32 v51, $0x8000  }
0x108: {  	v52 =	vsub.s32 v46, v0;
	v12 =	vand.u32 $0x7F, v46;
	v7 =	vor.u32 v9, v7  }
0x109: {  	[tilespmem:v3+s4+$0x0] =	vst.idx.msk vm0, v2;
	v9 =	vand.u32 $0xFFFFFF80, v51;
	v53 =	vand.u32 $0xFFFFFF80, v52;
	vm6 =	vlt.u32 v52, $0x8000  }
0x10a: {  	v8 =	vor.u32 v8, v9;
	v3 =	vor.u32 v12, v53;
	v54 =	vsub.s32 v50, v0  }
0x10b: {  	[tilespmem:v4+s4+$0x0] =	vst.idx.msk vm11, v2;
	v55 =	vand.u32 $0x7F, v50;
	vm7 =	vlt.u32 v54, $0x8000;
	v9 =	vand.u32 $0xFFFFFF80, v54  }
0x10c: {  	[tilespmem:v5+s4+$0x0] =	vst.idx.msk vm12, v2;
	v4 =	vor.u32 v55, v9  }
0x10d: {  	[tilespmem:v6+s4+$0x0] =	vst.idx.msk vm13, v2  }
0x10e: {  	[tilespmem:v7+s4+$0x0] =	vst.idx.msk vm14, v2  }
0x10f: {  	[tilespmem:v8+s4+$0x0] =	vst.idx.msk vm15, v2  }
0x110: {  	[tilespmem:v3+s4+$0x0] =	vst.idx.msk vm6, v2  }
0x111: {  	[tilespmem:v4+s4+$0x0] =	vst.idx.msk vm7, v2  }
0x112: {  	v3 =	vld [tilespmem:$0x9E00];
	_ =	sdelay $0x4  }
0x113: {  	v56 =	vsub.s32 v3, v0  }
0x114: {  	v3 =	vand.u32 $0x7F, v3;
	vm8 =	vlt.u32 v56, $0x8000;
	v4 =	vand.u32 $0xFFFFFF80, v56  }
0x115: {  	v3 =	vor.u32 v3, v4;
	_ =	sdelay $0x4  }
0x116: {  	[tilespmem:v3+s4+$0x0] =	vst.idx.msk vm8, v2  }
0x117: {  	v3 =	vld [tilespmem:$0x9E10];
	_ =	sdelay $0x4  }
0x118: {  	v57 =	vsub.s32 v3, v0  }
0x119: {  	v3 =	vand.u32 $0x7F, v3;
	vm9 =	vlt.u32 v57, $0x8000;
	v4 =	vand.u32 $0xFFFFFF80, v57  }
0x11a: {  	v3 =	vor.u32 v3, v4;
	_ =	sdelay $0x4  }
0x11b: {  	[tilespmem:v3+s4+$0x0] =	vst.idx.msk vm9, v2  }
0x11c: {  	v3 =	vld [tilespmem:$0x9E20];
	_ =	sdelay $0x4  }
0x11d: {  	v58 =	vsub.s32 v3, v0  }
0x11e: {  	v3 =	vand.u32 $0x7F, v3;
	vm10 =	vlt.u32 v58, $0x8000;
	v4 =	vand.u32 $0xFFFFFF80, v58  }
0x11f: {  	v3 =	vor.u32 v3, v4;
	_ =	sdelay $0x4  }
0x120: {  	[tilespmem:v3+s4+$0x0] =	vst.idx.msk vm10, v2  }
0x121: {  	v3 =	vld [tilespmem:$0x9E30];
	_ =	sdelay $0x4  }
0x122: {  	v59 =	vsub.s32 v3, v0  }
0x123: {  	v3 =	vand.u32 $0x7F, v3;
	vm11 =	vlt.u32 v59, $0x8000;
	v4 =	vand.u32 $0xFFFFFF80, v59  }
0x124: {  	v3 =	vor.u32 v3, v4;
	_ =	sdelay $0x4  }
0x125: {  	[tilespmem:v3+s4+$0x0] =	vst.idx.msk vm11, v2  }
0x126: {  	v3 =	vld [tilespmem:$0x9E40];
	_ =	sdelay $0x4  }
0x127: {  	v60 =	vsub.s32 v3, v0  }
0x128: {  	v3 =	vand.u32 $0x7F, v3;
	vm12 =	vlt.u32 v60, $0x8000;
	v4 =	vand.u32 $0xFFFFFF80, v60  }
0x129: {  	v3 =	vor.u32 v3, v4;
	_ =	sdelay $0x4  }
0x12a: {  	[tilespmem:v3+s4+$0x0] =	vst.idx.msk vm12, v2  }
0x12b: {  	v3 =	vld [tilespmem:$0x9E50];
	_ =	sdelay $0x4  }
0x12c: {  	v61 =	vsub.s32 v3, v0  }
0x12d: {  	v3 =	vand.u32 $0x7F, v3;
	vm13 =	vlt.u32 v61, $0x8000;
	v4 =	vand.u32 $0xFFFFFF80, v61  }
0x12e: {  	v3 =	vor.u32 v3, v4;
	_ =	sdelay $0x4  }
0x12f: {  	[tilespmem:v3+s4+$0x0] =	vst.idx.msk vm13, v2  }
0x130: {  	v3 =	vld [tilespmem:$0x9E60];
	_ =	sdelay $0x4  }
0x131: {  	v62 =	vsub.s32 v3, v0  }
0x132: {  	v3 =	vand.u32 $0x7F, v3;
	vm14 =	vlt.u32 v62, $0x8000;
	v4 =	vand.u32 $0xFFFFFF80, v62  }
0x133: {  	v3 =	vor.u32 v3, v4;
	_ =	sdelay $0x4  }
0x134: {  	[tilespmem:v3+s4+$0x0] =	vst.idx.msk vm14, v2  }
0x135: {  	v3 =	vld [tilespmem:$0x9E70];
	_ =	sdelay $0x4  }
0x136: {  	v63 =	vsub.s32 v3, v0  }
0x137: {  	v3 =	vand.u32 $0x7F, v3;
	vm15 =	vlt.u32 v63, $0x8000;
	v4 =	vand.u32 $0xFFFFFF80, v63  }
0x138: {  	p0 =	seq.s32 s22, $0x5;
	v3 =	vor.u32 v3, v4  }
.Ltmp4:
0x139: {  	_ = 	snop;
	(pc) =	sbr.rel @p0 .LBB2_15-.Ltmp4, $2  }
0x13a: {  	_ =	sdelay $0x2  }
0x13b: {  	[tilespmem:v3+s4+$0x0] =	vst.idx.msk vm15, v2  }
0x13c: {  	s23 =	sadd.s32 s21, s23  }
0x13d: {  	s23 =	sshrl.u32 s23, $0x3  }
0x13e: {  	s24 =	simm.s32 $0x8000;
	s23 =	sadd.s32 s1, s23  }
0x13f: {  	s25 =	simm.s32 $0x80;
	s26 =	simm.s32 $0x8100;
	s28 =	sadd.s32 $0x0, s23  }
.LBB2_13:
0x140: {  	[tilespmem:s24], [sflag:$0x1] =	stream.linear.gather [hbm4b:s28+s4], $0x80, $0x38;
	[tilespmem:$0xAD00] =	vst v63  }
0x141: {  	s28 =	smov.u32 s25;
	s24 =	smov.u32 s26;
	p0 =	sne.s32 s25, $0xF00  }
.Ltmp5:
0x142: {  	s25 =	sadd.s32 $0x80, s25;
	(pc) =	sbr.rel @p0 .LBB2_13-.Ltmp5, $2  }
0x143: {  	_ =	sdelay $0x2  }
0x144: {  	s26 =	sadd.s32 $0x100, s26;
	s28 =	sadd.s32 s28, s23  }
0x145: {  	[tilespmem:s24], [sflag:$0x1] =	stream.linear.gather [hbm4b:s28+s4], $0x80, $0x38;
	[tilespmem:$0xAD00] =	vst v63  }
.LBB2_15:
0x146: {  	_ =	swait.ge [sflag:s10], $0xF80  }
0x147: {  	[sflag:s10] =	ssyncset.done $0x0  }
0x148: {  	s26 =	simm.s32 $0x8180;
	[sflag:s10] =	ssyncadd.s32 $0xFFFFF080  }
0x149: {  	v3 =	vld [tilespmem:s26+$0x0];
	_ =	sdelay $0x4  }
0x14a: {  	v4 =	vsub.s32 v3, v0  }
0x14b: {  	v5 =	vld [tilespmem:s26+$0xFFFFFF00];
	v3 =	vand.u32 $0x7F, v3;
	vm0 =	vlt.u32 v4, $0x8000;
	v4 =	vand.u32 $0xFFFFFF80, v4  }
0x14c: {  	v3 =	vor.u32 v3, v4;
	_ =	sdelay $0x3  }
0x14d: {  	v4 =	vsub.s32 v5, v0  }
0x14e: {  	v5 =	vand.u32 $0x7F, v5;
	vm1 =	vlt.u32 v4, $0x8000;
	v4 =	vand.u32 $0xFFFFFF80, v4;
	[tilespmem:v3+s4+$0x0] =	vst.idx.msk vm0, v2  }
0x14f: {  	v3 =	vor.u32 v5, v4;
	v4 =	vld [tilespmem:s26+$0x10];
	_ =	sdelay $0x4  }
0x150: {  	[tilespmem:v3+s4+$0x0] =	vst.idx.msk vm1, v2;
	v3 =	vsub.s32 v4, v0  }
0x151: {  	v5 =	vld [tilespmem:s26+$0xFFFFFF10];
	v4 =	vand.u32 $0x7F, v4;
	vm0 =	vlt.u32 v3, $0x8000;
	v3 =	vand.u32 $0xFFFFFF80, v3  }
0x152: {  	v3 =	vor.u32 v4, v3;
	_ =	sdelay $0x1  }
0x153: {  	s23 =	simm.s32 $0x8380  }
0x154: {  	v4 =	vld [tilespmem:s23+$0x0]  }
0x155: {  	v6 =	vsub.s32 v5, v0  }
0x156: {  	v5 =	vand.u32 $0x7F, v5;
	vm1 =	vlt.u32 v6, $0x8000;
	v6 =	vand.u32 $0xFFFFFF80, v6;
	[tilespmem:v3+s4+$0x0] =	vst.idx.msk vm0, v2  }
0x157: {  	v3 =	vor.u32 v5, v6;
	v5 =	vld [tilespmem:s26+$0x20];
	_ =	sdelay $0x1  }
0x158: {  	v6 =	vsub.s32 v4, v0  }
0x159: {  	v7 =	vld [tilespmem:s23+$0xFFFFFF00];
	v4 =	vand.u32 $0x7F, v4;
	vm0 =	vlt.u32 v6, $0x8000;
	v6 =	vand.u32 $0xFFFFFF80, v6  }
0x15a: {  	v4 =	vor.u32 v4, v6  }
0x15b: {  	[tilespmem:v3+s4+$0x0] =	vst.idx.msk vm1, v2;
	v3 =	vsub.s32 v5, v0  }
0x15c: {  	v6 =	vld [tilespmem:s26+$0xFFFFFF20];
	v5 =	vand.u32 $0x7F, v5;
	vm1 =	vlt.u32 v3, $0x8000;
	v3 =	vand.u32 $0xFFFFFF80, v3  }
0x15d: {  	v3 =	vor.u32 v5, v3  }
0x15e: {  	v5 =	vsub.s32 v7, v0  }
0x15f: {  	[tilespmem:v4+s4+$0x0] =	vst.idx.msk vm0, v2;
	v4 =	vand.u32 $0x7F, v7;
	vm0 =	vlt.u32 v5, $0x8000;
	v5 =	vand.u32 $0xFFFFFF80, v5  }
0x160: {  	v7 =	vld [tilespmem:s23+$0x10];
	v4 =	vor.u32 v4, v5  }
0x161: {  	v8 =	vsub.s32 v6, v0  }
0x162: {  	v6 =	vand.u32 $0x7F, v6;
	v5 =	vand.u32 $0xFFFFFF80, v8;
	[tilespmem:v3+s4+$0x0] =	vst.idx.msk vm1, v2;
	vm1 =	vlt.u32 v8, $0x8000  }
0x163: {  	v3 =	vor.u32 v6, v5;
	v5 =	vld [tilespmem:s26+$0x30];
	_ =	sdelay $0x1  }
0x164: {  	v6 =	vsub.s32 v7, v0;
	[tilespmem:v4+s4+$0x0] =	vst.idx.msk vm0, v2  }
0x165: {  	vm0 =	vlt.u32 v6, $0x8000;
	v4 =	vand.u32 $0x7F, v7;
	v6 =	vand.u32 $0xFFFFFF80, v6;
	v7 =	vld [tilespmem:s23+$0xFFFFFF10]  }
0x166: {  	v4 =	vor.u32 v4, v6  }
0x167: {  	v6 =	vsub.s32 v5, v0;
	[tilespmem:v3+s4+$0x0] =	vst.idx.msk vm1, v2  }
0x168: {  	v5 =	vand.u32 $0x7F, v5;
	v3 =	vand.u32 $0xFFFFFF80, v6;
	v8 =	vld [tilespmem:s26+$0xFFFFFF30];
	vm1 =	vlt.u32 v6, $0x8000  }
0x169: {  	s24 =	simm.s32 $0x8580;
	v3 =	vor.u32 v5, v3  }
0x16a: {  	v5 =	vld [tilespmem:s24+$0x0];
	v6 =	vsub.s32 v7, v0  }
0x16b: {  	[tilespmem:v4+s4+$0x0] =	vst.idx.msk vm0, v2;
	v4 =	vand.u32 $0x7F, v7;
	vm0 =	vlt.u32 v6, $0x8000;
	v6 =	vand.u32 $0xFFFFFF80, v6  }
0x16c: {  	v7 =	vld [tilespmem:s23+$0x20];
	v4 =	vor.u32 v4, v6  }
0x16d: {  	v9 =	vsub.s32 v8, v0  }
0x16e: {  	v8 =	vand.u32 $0x7F, v8;
	v6 =	vand.u32 $0xFFFFFF80, v9;
	vm2 =	vlt.u32 v9, $0x8000;
	[tilespmem:v3+s4+$0x0] =	vst.idx.msk vm1, v2  }
0x16f: {  	v3 =	vor.u32 v8, v6;
	v6 =	vld [tilespmem:s26+$0x40];
	v8 =	vsub.s32 v5, v0  }
0x170: {  	v5 =	vand.u32 $0x7F, v5;
	v9 =	vand.u32 $0xFFFFFF80, v8  }
0x171: {  	v10 =	vld [tilespmem:s24+$0xFFFFFF00];
	vm1 =	vlt.u32 v8, $0x8000;
	v8 =	vsub.s32 v7, v0;
	[tilespmem:v4+s4+$0x0] =	vst.idx.msk vm0, v2;
	v4 =	vand.u32 $0x7F, v7  }
0x172: {  	v5 =	vor.u32 v5, v9;
	vm0 =	vlt.u32 v8, $0x8000;
	v7 =	vand.u32 $0xFFFFFF80, v8  }
0x173: {  	v8 =	vld [tilespmem:s23+$0xFFFFFF20];
	v4 =	vor.u32 v4, v7  }
0x174: {  	[tilespmem:v3+s4+$0x0] =	vst.idx.msk vm2, v2;
	v3 =	vsub.s32 v6, v0  }
0x175: {  	v6 =	vand.u32 $0x7F, v6;
	v7 =	vld [tilespmem:s26+$0xFFFFFF40];
	v9 =	vand.u32 $0xFFFFFF80, v3;
	vm2 =	vlt.u32 v3, $0x8000  }
0x176: {  	v3 =	vor.u32 v6, v9;
	v6 =	vsub.s32 v10, v0  }
0x177: {  	v9 =	vand.u32 $0x7F, v10;
	[tilespmem:v5+s4+$0x0] =	vst.idx.msk vm1, v2;
	v10 =	vand.u32 $0xFFFFFF80, v6  }
0x178: {  	v5 =	vsub.s32 v8, v0;
	vm1 =	vlt.u32 v6, $0x8000;
	[tilespmem:v4+s4+$0x0] =	vst.idx.msk vm0, v2;
	v6 =	vor.u32 v9, v10;
	v9 =	vld [tilespmem:s24+$0x10]  }
0x179: {  	v8 =	vand.u32 $0x7F, v8;
	v4 =	vand.u32 $0xFFFFFF80, v5;
	vm0 =	vlt.u32 v5, $0x8000;
	v5 =	vld [tilespmem:s23+$0x30]  }
0x17a: {  	v4 =	vor.u32 v8, v4;
	v8 =	vsub.s32 v7, v0  }
0x17b: {  	v7 =	vand.u32 $0x7F, v7;
	vm3 =	vlt.u32 v8, $0x8000;
	v8 =	vand.u32 $0xFFFFFF80, v8;
	[tilespmem:v3+s4+$0x0] =	vst.idx.msk vm2, v2  }
0x17c: {  	v3 =	vor.u32 v7, v8;
	v7 =	vld [tilespmem:s26+$0x50];
	_ =	sdelay $0x1  }
0x17d: {  	v8 =	vsub.s32 v9, v0;
	[tilespmem:v6+s4+$0x0] =	vst.idx.msk vm1, v2;
	v6 =	vsub.s32 v5, v0;
	v9 =	vand.u32 $0x7F, v9  }
0x17e: {  	[tilespmem:v4+s4+$0x0] =	vst.idx.msk vm0, v2;
	v5 =	vand.u32 $0x7F, v5;
	vm1 =	vlt.u32 v8, $0x8000;
	v10 =	vld [tilespmem:s24+$0xFFFFFF10];
	v8 =	vand.u32 $0xFFFFFF80, v8  }
0x17f: {  	v4 =	vand.u32 $0xFFFFFF80, v6;
	vm0 =	vlt.u32 v6, $0x8000;
	v8 =	vor.u32 v9, v8;
	v9 =	vld [tilespmem:s23+$0xFFFFFF30]  }
0x180: {  	v4 =	vor.u32 v5, v4;
	[tilespmem:v3+s4+$0x0] =	vst.idx.msk vm3, v2;
	v3 =	vsub.s32 v7, v0  }
0x181: {  	v6 =	vand.u32 $0x7F, v7;
	v5 =	vld [tilespmem:s26+$0xFFFFFF50];
	vm2 =	vlt.u32 v3, $0x8000;
	v3 =	vand.u32 $0xFFFFFF80, v3  }
0x182: {  	s25 =	simm.s32 $0x8780;
	v3 =	vor.u32 v6, v3  }
0x183: {  	v7 =	vld [tilespmem:s25+$0x0];
	v6 =	vsub.s32 v10, v0  }
0x184: {  	v10 =	vand.u32 $0x7F, v10;
	v11 =	vand.u32 $0xFFFFFF80, v6;
	v12 =	vsub.s32 v9, v0;
	[tilespmem:v8+s4+$0x0] =	vst.idx.msk vm1, v2  }
0x185: {  	vm1 =	vlt.u32 v6, $0x8000;
	[tilespmem:v4+s4+$0x0] =	vst.idx.msk vm0, v2;
	v4 =	vand.u32 $0x7F, v9;
	v6 =	vor.u32 v10, v11;
	v10 =	vld [tilespmem:s24+$0x20]  }
0x186: {  	v8 =	vand.u32 $0xFFFFFF80, v12;
	vm0 =	vlt.u32 v12, $0x8000;
	v11 =	vld [tilespmem:s23+$0x40];
	v9 =	vsub.s32 v5, v0  }
0x187: {  	v4 =	vor.u32 v4, v8;
	v5 =	vand.u32 $0x7F, v5;
	v8 =	vand.u32 $0xFFFFFF80, v9;
	[tilespmem:v3+s4+$0x0] =	vst.idx.msk vm2, v2  }
0x188: {  	vm2 =	vlt.u32 v9, $0x8000;
	v3 =	vor.u32 v5, v8;
	v5 =	vsub.s32 v7, v0;
	v8 =	vld [tilespmem:s26+$0x60]  }
0x189: {  	v7 =	vand.u32 $0x7F, v7;
	vm3 =	vlt.u32 v5, $0x8000;
	v5 =	vand.u32 $0xFFFFFF80, v5  }
0x18a: {  	v9 =	vld [tilespmem:s25+$0xFFFFFF00];
	v5 =	vor.u32 v7, v5;
	v7 =	vsub.s32 v10, v0;
	v10 =	vand.u32 $0x7F, v10  }
0x18b: {  	[tilespmem:v6+s4+$0x0] =	vst.idx.msk vm1, v2;
	vm1 =	vlt.u32 v7, $0x8000;
	v6 =	vand.u32 $0xFFFFFF80, v7;
	v7 =	vsub.s32 v11, v0  }
0x18c: {  	v60 =	vld [tilespmem:s24+$0xFFFFFF20];
	[tilespmem:v4+s4+$0x0] =	vst.idx.msk vm0, v2;
	v4 =	vor.u32 v10, v6;
	v6 =	vand.u32 $0xFFFFFF80, v7;
	v10 =	vand.u32 $0x7F, v11  }
0x18d: {  	v11 =	vld [tilespmem:s23+$0xFFFFFF40];
	vm0 =	vlt.u32 v7, $0x8000;
	v6 =	vor.u32 v10, v6;
	v7 =	vsub.s32 v8, v0  }
0x18e: {  	[tilespmem:v3+s4+$0x0] =	vst.idx.msk vm2, v2;
	vm2 =	vlt.u32 v7, $0x8000;
	v3 =	vand.u32 $0xFFFFFF80, v7;
	v7 =	vand.u32 $0x7F, v8  }
0x18f: {  	v10 =	vsub.s32 v9, v0;
	v8 =	vld [tilespmem:s26+$0xFFFFFF60];
	v3 =	vor.u32 v7, v3  }
0x190: {  	v7 =	vand.u32 $0x7F, v9;
	v9 =	vand.u32 $0xFFFFFF80, v10;
	[tilespmem:v5+s4+$0x0] =	vst.idx.msk vm3, v2;
	vm3 =	vlt.u32 v10, $0x8000  }
0x191: {  	v5 =	vsub.s32 v60, v0;
	v10 =	vand.u32 $0x7F, v60;
	v7 =	vor.u32 v7, v9;
	v9 =	vld [tilespmem:s25+$0x10]  }
0x192: {  	[tilespmem:v4+s4+$0x0] =	vst.idx.msk vm1, v2;
	v4 =	vand.u32 $0xFFFFFF80, v5;
	v13 =	vsub.s32 v11, v0;
	vm1 =	vlt.u32 v5, $0x8000  }
0x193: {  	v61 =	vld [tilespmem:s24+$0x30];
	v4 =	vor.u32 v10, v4;
	vm4 =	vlt.u32 v13, $0x8000;
	[tilespmem:v6+s4+$0x0] =	vst.idx.msk vm0, v2  }
0x194: {  	v5 =	vand.u32 $0xFFFFFF80, v13;
	v6 =	vand.u32 $0x7F, v11;
	v10 =	vld [tilespmem:s23+$0x50];
	v11 =	vsub.s32 v8, v0;
	[tilespmem:v3+s4+$0x0] =	vst.idx.msk vm2, v2  }
0x195: {  	v3 =	vor.u32 v6, v5;
	v5 =	vand.u32 $0x7F, v8;
	v6 =	vand.u32 $0xFFFFFF80, v11;
	v62 =	vld [tilespmem:s26+$0x70]  }
0x196: {  	vm5 =	vlt.u32 v11, $0x8000;
	v8 =	vsub.s32 v9, v0;
	v6 =	vor.u32 v5, v6  }
0x197: {  	[tilespmem:v7+s4+$0x0] =	vst.idx.msk vm3, v2;
	v5 =	vand.u32 $0x7F, v9;
	vm3 =	vlt.u32 v8, $0x8000;
	v8 =	vand.u32 $0xFFFFFF80, v8  }
0x198: {  	v14 =	vld [tilespmem:s25+$0xFFFFFF10];
	v7 =	vsub.s32 v61, v0;
	v12 =	vand.u32 $0x7F, v61;
	v9 =	vor.u32 v5, v8;
	[tilespmem:v4+s4+$0x0] =	vst.idx.msk vm1, v2  }
0x199: {  	v11 =	vand.u32 $0xFFFFFF80, v7;
	vm2 =	vlt.u32 v7, $0x8000;
	v4 =	vsub.s32 v10, v0;
	v8 =	vld [tilespmem:s24+$0xFFFFFF30]  }
0x19a: {  	v63 =	vand.u32 $0x7F, v10;
	v7 =	vor.u32 v12, v11;
	[tilespmem:v3+s4+$0x0] =	vst.idx.msk vm4, v2;
	v5 =	vsub.s32 v62, v0  }
0x19b: {  	v10 =	vand.u32 $0x7F, v62;
	vm0 =	vlt.u32 v5, $0x8000;
	v3 =	vand.u32 $0xFFFFFF80, v5;
	v5 =	vld [tilespmem:s23+$0xFFFFFF50]  }
0x19c: {  	vm1 =	vlt.u32 v4, $0x8000;
	[tilespmem:v6+s4+$0x0] =	vst.idx.msk vm5, v2;
	v6 =	vand.u32 $0xFFFFFF80, v4;
	v3 =	vor.u32 v10, v3  }
0x19d: {  	s28 =	simm.s32 $0x300;
	v4 =	vld [tilespmem:s26+$0xFFFFFF70];
	v11 =	vsub.s32 v14, v0;
	s26 =	simm.s32 $0x8980;
	v6 =	vor.u32 v63, v6;
	v10 =	vand.u32 $0x7F, v14  }
.LBB2_16:
0x19e: {  	v12 =	vld [tilespmem:s26+$0x0];
	vm4 =	vlt.u32 v11, $0x8000;
	v11 =	vand.u32 $0xFFFFFF80, v11;
	v13 =	vsub.s32 v8, v0  }
0x19f: {  	v8 =	vand.u32 $0x7F, v8;
	v14 =	vld [tilespmem:s26+$0xFFFFFF00];
	v10 =	vor.u32 v10, v11;
	[tilespmem:v9+s4+$0x0] =	vst.idx.msk vm3, v2;
	v9 =	vand.u32 $0xFFFFFF80, v13  }
0x1a0: {  	vm3 =	vlt.u32 v13, $0x8000;
	v11 =	vld [tilespmem:s25+$0x20];
	v8 =	vor.u32 v8, v9;
	[tilespmem:v7+s4+$0x0] =	vst.idx.msk vm2, v2;
	v7 =	vsub.s32 v5, v0  }
0x1a1: {  	v5 =	vand.u32 $0x7F, v5;
	v9 =	vld [tilespmem:s24+$0x40];
	vm2 =	vlt.u32 v7, $0x8000;
	v7 =	vand.u32 $0xFFFFFF80, v7;
	[tilespmem:v3+s4+$0x0] =	vst.idx.msk vm0, v2  }
0x1a2: {  	v3 =	vor.u32 v5, v7;
	[tilespmem:v6+s4+$0x0] =	vst.idx.msk vm1, v2;
	v5 =	vsub.s32 v4, v0;
	v4 =	vand.u32 $0x7F, v4  }
0x1a3: {  	v6 =	vsub.s32 v12, v0;
	v7 =	vld [tilespmem:s23+$0x60];
	vm0 =	vlt.u32 v5, $0x8000;
	v5 =	vand.u32 $0xFFFFFF80, v5  }
0x1a4: {  	v12 =	vand.u32 $0x7F, v12;
	vm1 =	vlt.u32 v6, $0x8000;
	v6 =	vand.u32 $0xFFFFFF80, v6;
	[tilespmem:v10+s4+$0x0] =	vst.idx.msk vm4, v2  }
0x1a5: {  	v6 =	vor.u32 v12, v6;
	v10 =	vld [tilespmem:s25+$0xFFFFFF20];
	v12 =	vsub.s32 v11, v0;
	v11 =	vand.u32 $0x7F, v11  }
0x1a6: {  	s28 =	sadd.s32 $0x100, s28;
	vm4 =	vlt.u32 v12, $0x8000;
	v12 =	vand.u32 $0xFFFFFF80, v12;
	[tilespmem:v8+s4+$0x0] =	vst.idx.msk vm3, v2;
	v8 =	vsub.s32 v9, v0  }
0x1a7: {  	p0 =	slt.u32 s28, $0xE00;
	v9 =	vand.u32 $0x7F, v9;
	v11 =	vor.u32 v11, v12;
	v12 =	vld [tilespmem:s24+$0xFFFFFF40];
	v13 =	vand.u32 $0xFFFFFF80, v8;
	[tilespmem:v3+s4+$0x0] =	vst.idx.msk vm2, v2  }
0x1a8: {  	vm3 =	vlt.u32 v8, $0x8000;
	v3 =	vor.u32 v9, v13;
	v8 =	vld [tilespmem:s23+$0xFFFFFF60];
	v9 =	vsub.s32 v7, v0  }
0x1a9: {  	v7 =	vand.u32 $0x7F, v7;
	vm2 =	vlt.u32 v9, $0x8000;
	v9 =	vand.u32 $0xFFFFFF80, v9  }
0x1aa: {  	v13 =	vsub.s32 v14, v0;
	v14 =	vand.u32 $0x7F, v14;
	v7 =	vor.u32 v7, v9  }
0x1ab: {  	vm5 =	vlt.u32 v13, $0x8000;
	v9 =	vand.u32 $0xFFFFFF80, v13;
	[tilespmem:v6+s4+$0x0] =	vst.idx.msk vm1, v2;
	v6 =	vsub.s32 v10, v0  }
0x1ac: {  	v9 =	vor.u32 v14, v9;
	v10 =	vand.u32 $0x7F, v10;
	v13 =	vld [tilespmem:s26+$0x10];
	v14 =	vand.u32 $0xFFFFFF80, v6;
	[tilespmem:v11+s4+$0x0] =	vst.idx.msk vm4, v2  }
0x1ad: {  	vm4 =	vlt.u32 v6, $0x8000;
	v11 =	vsub.s32 v12, v0;
	v6 =	vor.u32 v10, v14;
	v10 =	vld [tilespmem:s25+$0x30]  }
0x1ae: {  	v12 =	vand.u32 $0x7F, v12;
	vm1 =	vlt.u32 v11, $0x8000;
	v11 =	vand.u32 $0xFFFFFF80, v11;
	[tilespmem:v3+s4+$0x0] =	vst.idx.msk vm3, v2  }
0x1af: {  	v3 =	vor.u32 v12, v11;
	v12 =	vsub.s32 v8, v0;
	v8 =	vand.u32 $0x7F, v8;
	v11 =	vld [tilespmem:s24+$0x50];
	[tilespmem:v7+s4+$0x0] =	vst.idx.msk vm2, v2  }
0x1b0: {  	v4 =	vor.u32 v4, v5;
	vm6 =	vlt.u32 v12, $0x8000;
	v7 =	vand.u32 $0xFFFFFF80, v12;
	v12 =	vld [tilespmem:s23+$0x70]  }
0x1b1: {  	v14 =	vor.u32 v8, v7;
	[tilespmem:v9+s4+$0x0] =	vst.idx.msk vm5, v2;
	v5 =	vsub.s32 v13, v0  }
0x1b2: {  	v7 =	vand.u32 $0x7F, v13;
	v15 =	vld [tilespmem:s26+$0xFFFFFF10];
	vm3 =	vlt.u32 v5, $0x8000;
	v13 =	vsub.s32 v10, v0  }
0x1b3: {  	v5 =	vand.u32 $0xFFFFFF80, v5;
	v10 =	vand.u32 $0x7F, v10;
	[tilespmem:v6+s4+$0x0] =	vst.idx.msk vm4, v2;
	v6 =	vand.u32 $0xFFFFFF80, v13  }
.Ltmp6:
0x1b4: {  	v9 =	vor.u32 v7, v5;
	vm2 =	vlt.u32 v13, $0x8000;
	v8 =	vld [tilespmem:s25+$0xFFFFFF30];
	v7 =	vor.u32 v10, v6;
	[tilespmem:v3+s4+$0x0] =	vst.idx.msk vm1, v2;
	(pc) =	sbr.rel @p0 .LBB2_16-.Ltmp6, $4  }
0x1b5: {  	v3 =	vsub.s32 v11, v0;
	v6 =	vand.u32 $0x7F, v11;
	v5 =	vld [tilespmem:s24+$0xFFFFFF50];
	v10 =	vsub.s32 v12, v0;
	[tilespmem:v4+s4+$0x0] =	vst.idx.msk vm0, v2  }
0x1b6: {  	v11 =	vand.u32 $0x7F, v12;
	[tilespmem:v14+s4+$0x0] =	vst.idx.msk vm6, v2;
	vm0 =	vlt.u32 v10, $0x8000;
	v10 =	vand.u32 $0xFFFFFF80, v10  }
0x1b7: {  	vm1 =	vlt.u32 v3, $0x8000;
	v12 =	vand.u32 $0xFFFFFF80, v3;
	v4 =	vld [tilespmem:s23+$0xFFFFFF70];
	v3 =	vor.u32 v11, v10;
	s23 =	smov.u32 s24;
	s24 =	smov.u32 s25;
	s25 =	smov.u32 s26  }
0x1b8: {  	v6 =	vor.u32 v6, v12;
	v11 =	vsub.s32 v15, v0;
	v10 =	vand.u32 $0x7F, v15;
	s26 =	sadd.s32 $0x200, s26  }
0x1b9: {  	_ = 	snop  }
0x1ba: {  	vm4 =	vlt.u32 v11, $0x8000;
	v36 =	vand.u32 $0xFFFFFF80, v11  }
0x1bb: {  	v10 =	vor.u32 v10, v36;
	_ =	sdelay $0x2  }
0x1bc: {  	[tilespmem:v9+s4+$0x0] =	vst.idx.msk vm3, v2  }
0x1bd: {  	v9 =	vld [tilespmem:s25+$0x20]  }
0x1be: {  	[tilespmem:v10+s4+$0x0] =	vst.idx.msk vm4, v2  }
0x1bf: {  	v10 =	vld [tilespmem:s25+$0xFFFFFF20];
	_ =	sdelay $0x2  }
0x1c0: {  	v37 =	vsub.s32 v9, v0  }
0x1c1: {  	v9 =	vand.u32 $0x7F, v9;
	vm8 =	vlt.u32 v37, $0x8000;
	v11 =	vand.u32 $0xFFFFFF80, v37  }
0x1c2: {  	v9 =	vor.u32 v9, v11;
	v38 =	vsub.s32 v10, v0  }
0x1c3: {  	v10 =	vand.u32 $0x7F, v10;
	v12 =	vand.u32 $0xFFFFFF80, v38;
	vm9 =	vlt.u32 v38, $0x8000  }
0x1c4: {  	v10 =	vor.u32 v10, v12;
	_ =	sdelay $0x2  }
0x1c5: {  	[tilespmem:v9+s4+$0x0] =	vst.idx.msk vm8, v2  }
0x1c6: {  	v9 =	vld [tilespmem:s25+$0x30]  }
0x1c7: {  	[tilespmem:v10+s4+$0x0] =	vst.idx.msk vm9, v2  }
0x1c8: {  	v10 =	vld [tilespmem:s25+$0xFFFFFF30]  }
0x1c9: {  	v39 =	vsub.s32 v8, v0  }
0x1ca: {  	v41 =	vand.u32 $0x7F, v8;
	v40 =	vand.u32 $0xFFFFFF80, v39;
	vm10 =	vlt.u32 v39, $0x8000  }
0x1cb: {  	v8 =	vor.u32 v41, v40;
	v42 =	vsub.s32 v9, v0  }
0x1cc: {  	v9 =	vand.u32 $0x7F, v9;
	v43 =	vand.u32 $0xFFFFFF80, v42;
	vm11 =	vlt.u32 v42, $0x8000  }
0x1cd: {  	v9 =	vor.u32 v9, v43;
	v44 =	vsub.s32 v10, v0  }
0x1ce: {  	[tilespmem:v7+s4+$0x0] =	vst.idx.msk vm2, v2;
	v10 =	vand.u32 $0x7F, v10;
	v45 =	vand.u32 $0xFFFFFF80, v44;
	vm12 =	vlt.u32 v44, $0x8000  }
0x1cf: {  	v46 =	vld [tilespmem:s24+$0x40];
	v7 =	vor.u32 v10, v45  }
0x1d0: {  	[tilespmem:v8+s4+$0x0] =	vst.idx.msk vm10, v2  }
0x1d1: {  	v8 =	vld [tilespmem:s24+$0xFFFFFF40]  }
0x1d2: {  	[tilespmem:v9+s4+$0x0] =	vst.idx.msk vm11, v2  }
0x1d3: {  	v9 =	vld [tilespmem:s25+$0x40]  }
0x1d4: {  	v47 =	vsub.s32 v46, v0;
	[tilespmem:v7+s4+$0x0] =	vst.idx.msk vm12, v2  }
0x1d5: {  	v48 =	vand.u32 $0xFFFFFF80, v47;
	vm13 =	vlt.u32 v47, $0x8000;
	v11 =	vand.u32 $0x7F, v46;
	v49 =	vld [tilespmem:s25+$0xFFFFFF40]  }
0x1d6: {  	v50 =	vsub.s32 v8, v0;
	v7 =	vor.u32 v11, v48  }
0x1d7: {  	v8 =	vand.u32 $0x7F, v8;
	vm14 =	vlt.u32 v50, $0x8000;
	v11 =	vand.u32 $0xFFFFFF80, v50  }
0x1d8: {  	v51 =	vsub.s32 v9, v0;
	v8 =	vor.u32 v8, v11  }
0x1d9: {  	v9 =	vand.u32 $0x7F, v9;
	v52 =	vand.u32 $0xFFFFFF80, v51;
	vm15 =	vlt.u32 v51, $0x8000  }
0x1da: {  	v9 =	vor.u32 v9, v52;
	v53 =	vsub.s32 v49, v0  }
0x1db: {  	[tilespmem:v7+s4+$0x0] =	vst.idx.msk vm13, v2;
	v10 =	vand.u32 $0x7F, v49;
	vm8 =	vlt.u32 v53, $0x8000;
	v54 =	vand.u32 $0xFFFFFF80, v53  }
0x1dc: {  	v55 =	vld [tilespmem:s24+$0x50];
	v7 =	vor.u32 v10, v54  }
0x1dd: {  	[tilespmem:v8+s4+$0x0] =	vst.idx.msk vm14, v2  }
0x1de: {  	v8 =	vld [tilespmem:s24+$0xFFFFFF50]  }
0x1df: {  	v56 =	vsub.s32 v5, v0;
	[tilespmem:v9+s4+$0x0] =	vst.idx.msk vm15, v2  }
0x1e0: {  	v58 =	vand.u32 $0x7F, v5;
	v57 =	vand.u32 $0xFFFFFF80, v56;
	vm9 =	vlt.u32 v56, $0x8000;
	v59 =	vld [tilespmem:s25+$0x50]  }
0x1e1: {  	v5 =	vor.u32 v58, v57;
	v60 =	vsub.s32 v55, v0;
	[tilespmem:v7+s4+$0x0] =	vst.idx.msk vm8, v2  }
0x1e2: {  	v61 =	vand.u32 $0x7F, v55;
	vm10 =	vlt.u32 v60, $0x8000;
	v9 =	vand.u32 $0xFFFFFF80, v60;
	v62 =	vld [tilespmem:s25+$0xFFFFFF50]  }
0x1e3: {  	v63 =	vsub.s32 v8, v0;
	v7 =	vor.u32 v61, v9  }
0x1e4: {  	v8 =	vand.u32 $0x7F, v8;
	vm11 =	vlt.u32 v63, $0x8000;
	v9 =	vand.u32 $0xFFFFFF80, v63  }
0x1e5: {  	[tilespmem:v6+s4+$0x0] =	vst.idx.msk vm1, v2;
	v14 =	vsub.s32 v59, v0;
	v13 =	vor.u32 v8, v9  }
0x1e6: {  	v15 =	vld [tilespmem:s23+$0x60];
	[tilespmem:v5+s4+$0x0] =	vst.idx.msk vm9, v2;
	v16 =	vand.u32 $0x7F, v59;
	vm12 =	vlt.u32 v14, $0x8000;
	v8 =	vand.u32 $0xFFFFFF80, v14  }
0x1e7: {  	v19 =	vld [tilespmem:s23+$0xFFFFFF60];
	v17 =	vor.u32 v16, v8;
	v18 =	vsub.s32 v62, v0  }
0x1e8: {  	[tilespmem:v7+s4+$0x0] =	vst.idx.msk vm10, v2;
	v21 =	vand.u32 $0x7F, v62;
	vm13 =	vlt.u32 v18, $0x8000;
	v20 =	vand.u32 $0xFFFFFF80, v18  }
0x1e9: {  	v22 =	vld [tilespmem:s24+$0x60];
	v7 =	vor.u32 v21, v20  }
0x1ea: {  	[tilespmem:v13+s4+$0x0] =	vst.idx.msk vm11, v2  }
0x1eb: {  	v23 =	vsub.s32 v15, v0;
	v24 =	vld [tilespmem:s24+$0xFFFFFF60]  }
0x1ec: {  	v6 =	vand.u32 $0xFFFFFF80, v23;
	v26 =	vsub.s32 v19, v0;
	v27 =	vand.u32 $0x7F, v19;
	[tilespmem:v17+s4+$0x0] =	vst.idx.msk vm12, v2  }
0x1ed: {  	vm14 =	vlt.u32 v23, $0x8000;
	vm15 =	vlt.u32 v26, $0x8000;
	v9 =	vand.u32 $0x7F, v15;
	v28 =	vld [tilespmem:s25+$0x60]  }
0x1ee: {  	v25 =	vor.u32 v9, v6;
	v6 =	vand.u32 $0xFFFFFF80, v26;
	v29 =	vsub.s32 v22, v0;
	[tilespmem:v7+s4+$0x0] =	vst.idx.msk vm13, v2  }
0x1ef: {  	v6 =	vor.u32 v27, v6;
	v10 =	vand.u32 $0x7F, v22;
	vm8 =	vlt.u32 v29, $0x8000;
	v7 =	vld [tilespmem:s25+$0xFFFFFF60]  }
0x1f0: {  	v30 =	vand.u32 $0xFFFFFF80, v29;
	v31 =	vsub.s32 v24, v0;
	v8 =	vand.u32 $0x7F, v24  }
0x1f1: {  	v9 =	vor.u32 v10, v30;
	v32 =	vand.u32 $0xFFFFFF80, v31;
	vm9 =	vlt.u32 v31, $0x8000  }
0x1f2: {  	v34 =	vsub.s32 v28, v0;
	v33 =	vor.u32 v8, v32  }
0x1f3: {  	[tilespmem:v25+s4+$0x0] =	vst.idx.msk vm14, v2;
	v11 =	vand.u32 $0x7F, v28;
	vm10 =	vlt.u32 v34, $0x8000;
	v8 =	vand.u32 $0xFFFFFF80, v34  }
0x1f4: {  	v35 =	vld [tilespmem:s23+$0x70];
	[tilespmem:v6+s4+$0x0] =	vst.idx.msk vm15, v2;
	v36 =	vor.u32 v11, v8;
	v37 =	vsub.s32 v7, v0  }
0x1f5: {  	v38 =	vld [tilespmem:s23+$0xFFFFFF70];
	v7 =	vand.u32 $0x7F, v7;
	vm5 =	vlt.u32 v37, $0x8000;
	v8 =	vand.u32 $0xFFFFFF80, v37  }
0x1f6: {  	v39 =	vsub.s32 v4, v0;
	[tilespmem:v9+s4+$0x0] =	vst.idx.msk vm8, v2;
	v7 =	vor.u32 v7, v8  }
0x1f7: {  	v40 =	vand.u32 $0x7F, v4;
	v41 =	vand.u32 $0xFFFFFF80, v39;
	v9 =	vld [tilespmem:s24+$0x70];
	[tilespmem:v33+s4+$0x0] =	vst.idx.msk vm9, v2  }
0x1f8: {  	v4 =	vor.u32 v40, v41;
	v43 =	vld [tilespmem:s24+$0xFFFFFF70]  }
0x1f9: {  	vm11 =	vlt.u32 v39, $0x8000;
	v42 =	vsub.s32 v35, v0;
	v44 =	vand.u32 $0x7F, v35;
	[tilespmem:v36+s4+$0x0] =	vst.idx.msk vm10, v2  }
0x1fa: {  	vm12 =	vlt.u32 v42, $0x8000;
	v5 =	vand.u32 $0xFFFFFF80, v42;
	v45 =	vsub.s32 v38, v0;
	v46 =	vld [tilespmem:s25+$0x70]  }
0x1fb: {  	v47 =	vand.u32 $0x7F, v38;
	v5 =	vor.u32 v44, v5;
	v48 =	vand.u32 $0xFFFFFF80, v45;
	[tilespmem:v7+s4+$0x0] =	vst.idx.msk vm5, v2  }
0x1fc: {  	vm13 =	vlt.u32 v45, $0x8000;
	v6 =	vor.u32 v47, v48;
	v49 =	vsub.s32 v9, v0;
	v50 =	vld [tilespmem:s25+$0xFFFFFF70]  }
0x1fd: {  	v9 =	vand.u32 $0x7F, v9;
	vm14 =	vlt.u32 v49, $0x8000;
	v51 =	vsub.s32 v43, v0  }
0x1fe: {  	v8 =	vand.u32 $0x7F, v43;
	v7 =	vand.u32 $0xFFFFFF80, v49;
	vm15 =	vlt.u32 v51, $0x8000  }
0x1ff: {  	v52 =	vsub.s32 v46, v0;
	v12 =	vand.u32 $0x7F, v46;
	v7 =	vor.u32 v9, v7  }
0x200: {  	[tilespmem:v3+s4+$0x0] =	vst.idx.msk vm0, v2;
	v9 =	vand.u32 $0xFFFFFF80, v51;
	v53 =	vand.u32 $0xFFFFFF80, v52;
	vm6 =	vlt.u32 v52, $0x8000  }
0x201: {  	v8 =	vor.u32 v8, v9;
	v3 =	vor.u32 v12, v53;
	v54 =	vsub.s32 v50, v0  }
0x202: {  	[tilespmem:v4+s4+$0x0] =	vst.idx.msk vm11, v2;
	v55 =	vand.u32 $0x7F, v50;
	vm7 =	vlt.u32 v54, $0x8000;
	v9 =	vand.u32 $0xFFFFFF80, v54  }
0x203: {  	[tilespmem:v5+s4+$0x0] =	vst.idx.msk vm12, v2;
	v4 =	vor.u32 v55, v9  }
0x204: {  	[tilespmem:v6+s4+$0x0] =	vst.idx.msk vm13, v2  }
0x205: {  	[tilespmem:v7+s4+$0x0] =	vst.idx.msk vm14, v2  }
0x206: {  	[tilespmem:v8+s4+$0x0] =	vst.idx.msk vm15, v2  }
0x207: {  	[tilespmem:v3+s4+$0x0] =	vst.idx.msk vm6, v2  }
0x208: {  	[tilespmem:v4+s4+$0x0] =	vst.idx.msk vm7, v2  }
0x209: {  	v3 =	vld [tilespmem:$0x9E80];
	_ =	sdelay $0x4  }
0x20a: {  	v56 =	vsub.s32 v3, v0  }
0x20b: {  	v3 =	vand.u32 $0x7F, v3;
	vm8 =	vlt.u32 v56, $0x8000;
	v4 =	vand.u32 $0xFFFFFF80, v56  }
0x20c: {  	v3 =	vor.u32 v3, v4;
	_ =	sdelay $0x4  }
0x20d: {  	[tilespmem:v3+s4+$0x0] =	vst.idx.msk vm8, v2  }
0x20e: {  	v3 =	vld [tilespmem:$0x9E90];
	_ =	sdelay $0x4  }
0x20f: {  	v57 =	vsub.s32 v3, v0  }
0x210: {  	v3 =	vand.u32 $0x7F, v3;
	vm9 =	vlt.u32 v57, $0x8000;
	v4 =	vand.u32 $0xFFFFFF80, v57  }
0x211: {  	v3 =	vor.u32 v3, v4;
	_ =	sdelay $0x4  }
0x212: {  	[tilespmem:v3+s4+$0x0] =	vst.idx.msk vm9, v2  }
0x213: {  	v3 =	vld [tilespmem:$0x9EA0];
	_ =	sdelay $0x4  }
0x214: {  	v58 =	vsub.s32 v3, v0  }
0x215: {  	v3 =	vand.u32 $0x7F, v3;
	vm10 =	vlt.u32 v58, $0x8000;
	v4 =	vand.u32 $0xFFFFFF80, v58  }
0x216: {  	v3 =	vor.u32 v3, v4;
	_ =	sdelay $0x4  }
0x217: {  	[tilespmem:v3+s4+$0x0] =	vst.idx.msk vm10, v2  }
0x218: {  	v3 =	vld [tilespmem:$0x9EB0];
	_ =	sdelay $0x4  }
0x219: {  	v59 =	vsub.s32 v3, v0  }
0x21a: {  	v3 =	vand.u32 $0x7F, v3;
	vm11 =	vlt.u32 v59, $0x8000;
	v4 =	vand.u32 $0xFFFFFF80, v59  }
0x21b: {  	v3 =	vor.u32 v3, v4;
	_ =	sdelay $0x4  }
0x21c: {  	[tilespmem:v3+s4+$0x0] =	vst.idx.msk vm11, v2  }
0x21d: {  	v3 =	vld [tilespmem:$0x9EC0];
	_ =	sdelay $0x4  }
0x21e: {  	v60 =	vsub.s32 v3, v0  }
0x21f: {  	v3 =	vand.u32 $0x7F, v3;
	vm12 =	vlt.u32 v60, $0x8000;
	v4 =	vand.u32 $0xFFFFFF80, v60  }
0x220: {  	v3 =	vor.u32 v3, v4;
	_ =	sdelay $0x4  }
0x221: {  	[tilespmem:v3+s4+$0x0] =	vst.idx.msk vm12, v2  }
0x222: {  	v3 =	vld [tilespmem:$0x9ED0];
	_ =	sdelay $0x4  }
0x223: {  	v61 =	vsub.s32 v3, v0  }
0x224: {  	v3 =	vand.u32 $0x7F, v3;
	vm13 =	vlt.u32 v61, $0x8000;
	v4 =	vand.u32 $0xFFFFFF80, v61  }
0x225: {  	v3 =	vor.u32 v3, v4;
	_ =	sdelay $0x4  }
0x226: {  	[tilespmem:v3+s4+$0x0] =	vst.idx.msk vm13, v2  }
0x227: {  	v3 =	vld [tilespmem:$0x9EE0];
	_ =	sdelay $0x4  }
0x228: {  	v62 =	vsub.s32 v3, v0  }
0x229: {  	v3 =	vand.u32 $0x7F, v3;
	vm14 =	vlt.u32 v62, $0x8000;
	v4 =	vand.u32 $0xFFFFFF80, v62  }
0x22a: {  	v3 =	vor.u32 v3, v4;
	_ =	sdelay $0x4  }
0x22b: {  	[tilespmem:v3+s4+$0x0] =	vst.idx.msk vm14, v2  }
0x22c: {  	v3 =	vld [tilespmem:$0x9EF0];
	_ =	sdelay $0x4  }
0x22d: {  	v63 =	vsub.s32 v3, v0  }
0x22e: {  	s22 =	sadd.s32 $0x1, s22;
	v3 =	vand.u32 $0x7F, v3;
	vm15 =	vlt.u32 v63, $0x8000;
	v4 =	vand.u32 $0xFFFFFF80, v63  }
0x22f: {  	p0 =	sne.s32 s22, $0x6;
	v3 =	vor.u32 v3, v4  }
.Ltmp7:
0x230: {  	_ = 	snop;
	(pc) =	sbr.rel @p0 .LBB2_7-.Ltmp7, $2  }
0x231: {  	_ =	sdelay $0x2  }
0x232: {  	[tilespmem:v3+s4+$0x0] =	vst.idx.msk vm15, v2  }
0x233: {  	_ =	swait.ge [sflag:s15], $0x980  }
0x234: {  	[sflag:s15] =	ssyncset.done $0x0  }
0x235: {  	s23 =	simm.s32 $0x9F80;
	[sflag:s15] =	ssyncadd.s32 $0xFFFFF680  }
0x236: {  	v3 =	vld [tilespmem:s23+$0x0];
	_ =	sdelay $0x4  }
0x237: {  	v4 =	vsub.s32 v3, v0  }
0x238: {  	v5 =	vld [tilespmem:s23+$0xFFFFFF80];
	v3 =	vand.u32 $0x7F, v3;
	vm0 =	vlt.u32 v4, $0x8000;
	v4 =	vand.u32 $0xFFFFFF80, v4  }
0x239: {  	v3 =	vor.u32 v3, v4;
	_ =	sdelay $0x3  }
0x23a: {  	v4 =	vsub.s32 v5, v0  }
0x23b: {  	v5 =	vand.u32 $0x7F, v5;
	vm1 =	vlt.u32 v4, $0x8000;
	v4 =	vand.u32 $0xFFFFFF80, v4;
	[tilespmem:v3+s4+$0x0] =	vst.idx.msk vm0, v2  }
0x23c: {  	v3 =	vor.u32 v5, v4;
	v4 =	vld [tilespmem:s23+$0x10];
	_ =	sdelay $0x4  }
0x23d: {  	[tilespmem:v3+s4+$0x0] =	vst.idx.msk vm1, v2;
	v3 =	vsub.s32 v4, v0  }
0x23e: {  	v5 =	vld [tilespmem:s23+$0xFFFFFF90];
	v4 =	vand.u32 $0x7F, v4;
	vm0 =	vlt.u32 v3, $0x8000;
	v3 =	vand.u32 $0xFFFFFF80, v3  }
0x23f: {  	v3 =	vor.u32 v4, v3;
	_ =	sdelay $0x1  }
0x240: {  	s20 =	simm.s32 $0xA080  }
0x241: {  	v4 =	vld [tilespmem:s20+$0x0]  }
0x242: {  	v6 =	vsub.s32 v5, v0  }
0x243: {  	v5 =	vand.u32 $0x7F, v5;
	vm1 =	vlt.u32 v6, $0x8000;
	v6 =	vand.u32 $0xFFFFFF80, v6;
	[tilespmem:v3+s4+$0x0] =	vst.idx.msk vm0, v2  }
0x244: {  	v3 =	vor.u32 v5, v6;
	v5 =	vld [tilespmem:s23+$0x20];
	_ =	sdelay $0x1  }
0x245: {  	v6 =	vsub.s32 v4, v0  }
0x246: {  	v7 =	vld [tilespmem:s20+$0xFFFFFF80];
	v4 =	vand.u32 $0x7F, v4;
	vm0 =	vlt.u32 v6, $0x8000;
	v6 =	vand.u32 $0xFFFFFF80, v6  }
0x247: {  	v4 =	vor.u32 v4, v6  }
0x248: {  	[tilespmem:v3+s4+$0x0] =	vst.idx.msk vm1, v2;
	v3 =	vsub.s32 v5, v0  }
0x249: {  	v6 =	vld [tilespmem:s23+$0xFFFFFFA0];
	v5 =	vand.u32 $0x7F, v5;
	vm1 =	vlt.u32 v3, $0x8000;
	v3 =	vand.u32 $0xFFFFFF80, v3  }
0x24a: {  	v3 =	vor.u32 v5, v3  }
0x24b: {  	v5 =	vsub.s32 v7, v0  }
0x24c: {  	[tilespmem:v4+s4+$0x0] =	vst.idx.msk vm0, v2;
	v4 =	vand.u32 $0x7F, v7;
	vm0 =	vlt.u32 v5, $0x8000;
	v5 =	vand.u32 $0xFFFFFF80, v5  }
0x24d: {  	v7 =	vld [tilespmem:s20+$0x10];
	v4 =	vor.u32 v4, v5  }
0x24e: {  	v8 =	vsub.s32 v6, v0  }
0x24f: {  	v6 =	vand.u32 $0x7F, v6;
	v5 =	vand.u32 $0xFFFFFF80, v8;
	[tilespmem:v3+s4+$0x0] =	vst.idx.msk vm1, v2;
	vm1 =	vlt.u32 v8, $0x8000  }
0x250: {  	v3 =	vor.u32 v6, v5;
	v5 =	vld [tilespmem:s23+$0x30];
	_ =	sdelay $0x1  }
0x251: {  	v6 =	vsub.s32 v7, v0;
	[tilespmem:v4+s4+$0x0] =	vst.idx.msk vm0, v2  }
0x252: {  	vm0 =	vlt.u32 v6, $0x8000;
	v4 =	vand.u32 $0x7F, v7;
	v6 =	vand.u32 $0xFFFFFF80, v6;
	v7 =	vld [tilespmem:s20+$0xFFFFFF90]  }
0x253: {  	v4 =	vor.u32 v4, v6  }
0x254: {  	v6 =	vsub.s32 v5, v0;
	[tilespmem:v3+s4+$0x0] =	vst.idx.msk vm1, v2  }
0x255: {  	v5 =	vand.u32 $0x7F, v5;
	v3 =	vand.u32 $0xFFFFFF80, v6;
	v8 =	vld [tilespmem:s23+$0xFFFFFFB0];
	vm1 =	vlt.u32 v6, $0x8000  }
0x256: {  	s21 =	simm.s32 $0xA180;
	v3 =	vor.u32 v5, v3  }
0x257: {  	v5 =	vld [tilespmem:s21+$0x0];
	v6 =	vsub.s32 v7, v0  }
0x258: {  	[tilespmem:v4+s4+$0x0] =	vst.idx.msk vm0, v2;
	v4 =	vand.u32 $0x7F, v7;
	vm0 =	vlt.u32 v6, $0x8000;
	v6 =	vand.u32 $0xFFFFFF80, v6  }
0x259: {  	v7 =	vld [tilespmem:s20+$0x20];
	v4 =	vor.u32 v4, v6  }
0x25a: {  	v9 =	vsub.s32 v8, v0  }
0x25b: {  	v8 =	vand.u32 $0x7F, v8;
	v6 =	vand.u32 $0xFFFFFF80, v9;
	vm2 =	vlt.u32 v9, $0x8000;
	[tilespmem:v3+s4+$0x0] =	vst.idx.msk vm1, v2  }
0x25c: {  	v3 =	vor.u32 v8, v6;
	v6 =	vld [tilespmem:s23+$0x40];
	v8 =	vsub.s32 v5, v0  }
0x25d: {  	v5 =	vand.u32 $0x7F, v5;
	v9 =	vand.u32 $0xFFFFFF80, v8  }
0x25e: {  	v10 =	vld [tilespmem:s21+$0xFFFFFF80];
	vm1 =	vlt.u32 v8, $0x8000;
	v8 =	vsub.s32 v7, v0;
	[tilespmem:v4+s4+$0x0] =	vst.idx.msk vm0, v2;
	v4 =	vand.u32 $0x7F, v7  }
0x25f: {  	v5 =	vor.u32 v5, v9;
	vm0 =	vlt.u32 v8, $0x8000;
	v7 =	vand.u32 $0xFFFFFF80, v8  }
0x260: {  	v8 =	vld [tilespmem:s20+$0xFFFFFFA0];
	v4 =	vor.u32 v4, v7  }
0x261: {  	[tilespmem:v3+s4+$0x0] =	vst.idx.msk vm2, v2;
	v3 =	vsub.s32 v6, v0  }
0x262: {  	v6 =	vand.u32 $0x7F, v6;
	v7 =	vld [tilespmem:s23+$0xFFFFFFC0];
	v9 =	vand.u32 $0xFFFFFF80, v3;
	vm2 =	vlt.u32 v3, $0x8000  }
0x263: {  	v3 =	vor.u32 v6, v9;
	v6 =	vsub.s32 v10, v0  }
0x264: {  	v9 =	vand.u32 $0x7F, v10;
	[tilespmem:v5+s4+$0x0] =	vst.idx.msk vm1, v2;
	v10 =	vand.u32 $0xFFFFFF80, v6  }
0x265: {  	v5 =	vsub.s32 v8, v0;
	vm1 =	vlt.u32 v6, $0x8000;
	[tilespmem:v4+s4+$0x0] =	vst.idx.msk vm0, v2;
	v6 =	vor.u32 v9, v10;
	v9 =	vld [tilespmem:s21+$0x10]  }
0x266: {  	v8 =	vand.u32 $0x7F, v8;
	v4 =	vand.u32 $0xFFFFFF80, v5;
	vm0 =	vlt.u32 v5, $0x8000;
	v5 =	vld [tilespmem:s20+$0x30]  }
0x267: {  	v4 =	vor.u32 v8, v4;
	v8 =	vsub.s32 v7, v0  }
0x268: {  	v7 =	vand.u32 $0x7F, v7;
	vm3 =	vlt.u32 v8, $0x8000;
	v8 =	vand.u32 $0xFFFFFF80, v8;
	[tilespmem:v3+s4+$0x0] =	vst.idx.msk vm2, v2  }
0x269: {  	v3 =	vor.u32 v7, v8;
	v7 =	vld [tilespmem:s23+$0x50];
	_ =	sdelay $0x1  }
0x26a: {  	v8 =	vsub.s32 v9, v0;
	[tilespmem:v6+s4+$0x0] =	vst.idx.msk vm1, v2;
	v6 =	vsub.s32 v5, v0;
	v9 =	vand.u32 $0x7F, v9  }
0x26b: {  	[tilespmem:v4+s4+$0x0] =	vst.idx.msk vm0, v2;
	v5 =	vand.u32 $0x7F, v5;
	vm1 =	vlt.u32 v8, $0x8000;
	v10 =	vld [tilespmem:s21+$0xFFFFFF90];
	v8 =	vand.u32 $0xFFFFFF80, v8  }
0x26c: {  	v4 =	vand.u32 $0xFFFFFF80, v6;
	vm0 =	vlt.u32 v6, $0x8000;
	v8 =	vor.u32 v9, v8;
	v9 =	vld [tilespmem:s20+$0xFFFFFFB0]  }
0x26d: {  	v4 =	vor.u32 v5, v4;
	[tilespmem:v3+s4+$0x0] =	vst.idx.msk vm3, v2;
	v3 =	vsub.s32 v7, v0  }
0x26e: {  	v6 =	vand.u32 $0x7F, v7;
	v5 =	vld [tilespmem:s23+$0xFFFFFFD0];
	vm2 =	vlt.u32 v3, $0x8000;
	v3 =	vand.u32 $0xFFFFFF80, v3  }
0x26f: {  	s22 =	simm.s32 $0xA280;
	v3 =	vor.u32 v6, v3  }
0x270: {  	v7 =	vld [tilespmem:s22+$0x0];
	v6 =	vsub.s32 v10, v0  }
0x271: {  	v10 =	vand.u32 $0x7F, v10;
	v11 =	vand.u32 $0xFFFFFF80, v6;
	v12 =	vsub.s32 v9, v0;
	[tilespmem:v8+s4+$0x0] =	vst.idx.msk vm1, v2  }
0x272: {  	vm1 =	vlt.u32 v6, $0x8000;
	[tilespmem:v4+s4+$0x0] =	vst.idx.msk vm0, v2;
	v4 =	vand.u32 $0x7F, v9;
	v6 =	vor.u32 v10, v11;
	v10 =	vld [tilespmem:s21+$0x20]  }
0x273: {  	v8 =	vand.u32 $0xFFFFFF80, v12;
	vm0 =	vlt.u32 v12, $0x8000;
	v11 =	vld [tilespmem:s20+$0x40];
	v9 =	vsub.s32 v5, v0  }
0x274: {  	v4 =	vor.u32 v4, v8;
	v5 =	vand.u32 $0x7F, v5;
	v8 =	vand.u32 $0xFFFFFF80, v9;
	[tilespmem:v3+s4+$0x0] =	vst.idx.msk vm2, v2  }
0x275: {  	vm2 =	vlt.u32 v9, $0x8000;
	v3 =	vor.u32 v5, v8;
	v5 =	vsub.s32 v7, v0;
	v8 =	vld [tilespmem:s23+$0x60]  }
0x276: {  	v7 =	vand.u32 $0x7F, v7;
	vm3 =	vlt.u32 v5, $0x8000;
	v5 =	vand.u32 $0xFFFFFF80, v5  }
0x277: {  	v9 =	vld [tilespmem:s22+$0xFFFFFF80];
	v5 =	vor.u32 v7, v5;
	v7 =	vsub.s32 v10, v0;
	v10 =	vand.u32 $0x7F, v10  }
0x278: {  	[tilespmem:v6+s4+$0x0] =	vst.idx.msk vm1, v2;
	vm1 =	vlt.u32 v7, $0x8000;
	v6 =	vand.u32 $0xFFFFFF80, v7;
	v7 =	vsub.s32 v11, v0  }
0x279: {  	v60 =	vld [tilespmem:s21+$0xFFFFFFA0];
	[tilespmem:v4+s4+$0x0] =	vst.idx.msk vm0, v2;
	v4 =	vor.u32 v10, v6;
	v6 =	vand.u32 $0xFFFFFF80, v7;
	v10 =	vand.u32 $0x7F, v11  }
0x27a: {  	v11 =	vld [tilespmem:s20+$0xFFFFFFC0];
	vm0 =	vlt.u32 v7, $0x8000;
	v6 =	vor.u32 v10, v6;
	v7 =	vsub.s32 v8, v0  }
0x27b: {  	[tilespmem:v3+s4+$0x0] =	vst.idx.msk vm2, v2;
	vm2 =	vlt.u32 v7, $0x8000;
	v3 =	vand.u32 $0xFFFFFF80, v7;
	v7 =	vand.u32 $0x7F, v8  }
0x27c: {  	v10 =	vsub.s32 v9, v0;
	v8 =	vld [tilespmem:s23+$0xFFFFFFE0];
	v3 =	vor.u32 v7, v3  }
0x27d: {  	v7 =	vand.u32 $0x7F, v9;
	v9 =	vand.u32 $0xFFFFFF80, v10;
	[tilespmem:v5+s4+$0x0] =	vst.idx.msk vm3, v2;
	vm3 =	vlt.u32 v10, $0x8000  }
0x27e: {  	v5 =	vsub.s32 v60, v0;
	v10 =	vand.u32 $0x7F, v60;
	v7 =	vor.u32 v7, v9;
	v9 =	vld [tilespmem:s22+$0x10]  }
0x27f: {  	[tilespmem:v4+s4+$0x0] =	vst.idx.msk vm1, v2;
	v4 =	vand.u32 $0xFFFFFF80, v5;
	v13 =	vsub.s32 v11, v0;
	vm1 =	vlt.u32 v5, $0x8000  }
0x280: {  	v61 =	vld [tilespmem:s21+$0x30];
	v4 =	vor.u32 v10, v4;
	vm4 =	vlt.u32 v13, $0x8000;
	[tilespmem:v6+s4+$0x0] =	vst.idx.msk vm0, v2  }
0x281: {  	v5 =	vand.u32 $0xFFFFFF80, v13;
	v6 =	vand.u32 $0x7F, v11;
	v10 =	vld [tilespmem:s20+$0x50];
	v11 =	vsub.s32 v8, v0;
	[tilespmem:v3+s4+$0x0] =	vst.idx.msk vm2, v2  }
0x282: {  	v3 =	vor.u32 v6, v5;
	v5 =	vand.u32 $0x7F, v8;
	v6 =	vand.u32 $0xFFFFFF80, v11;
	v62 =	vld [tilespmem:s23+$0x70]  }
0x283: {  	vm5 =	vlt.u32 v11, $0x8000;
	v8 =	vsub.s32 v9, v0;
	v6 =	vor.u32 v5, v6  }
0x284: {  	[tilespmem:v7+s4+$0x0] =	vst.idx.msk vm3, v2;
	v5 =	vand.u32 $0x7F, v9;
	vm3 =	vlt.u32 v8, $0x8000;
	v8 =	vand.u32 $0xFFFFFF80, v8  }
0x285: {  	v14 =	vld [tilespmem:s22+$0xFFFFFF90];
	v7 =	vsub.s32 v61, v0;
	v12 =	vand.u32 $0x7F, v61;
	v9 =	vor.u32 v5, v8;
	[tilespmem:v4+s4+$0x0] =	vst.idx.msk vm1, v2  }
0x286: {  	v11 =	vand.u32 $0xFFFFFF80, v7;
	vm2 =	vlt.u32 v7, $0x8000;
	v4 =	vsub.s32 v10, v0;
	v8 =	vld [tilespmem:s21+$0xFFFFFFB0]  }
0x287: {  	v63 =	vand.u32 $0x7F, v10;
	v7 =	vor.u32 v12, v11;
	[tilespmem:v3+s4+$0x0] =	vst.idx.msk vm4, v2;
	v5 =	vsub.s32 v62, v0  }
0x288: {  	v10 =	vand.u32 $0x7F, v62;
	vm0 =	vlt.u32 v5, $0x8000;
	v3 =	vand.u32 $0xFFFFFF80, v5;
	v5 =	vld [tilespmem:s20+$0xFFFFFFD0]  }
0x289: {  	vm1 =	vlt.u32 v4, $0x8000;
	[tilespmem:v6+s4+$0x0] =	vst.idx.msk vm5, v2;
	v6 =	vand.u32 $0xFFFFFF80, v4;
	v3 =	vor.u32 v10, v3  }
0x28a: {  	s24 =	simm.s32 $0x300;
	v4 =	vld [tilespmem:s23+$0xFFFFFFF0];
	v11 =	vsub.s32 v14, v0;
	s23 =	simm.s32 $0xA380;
	v6 =	vor.u32 v63, v6;
	v10 =	vand.u32 $0x7F, v14  }
.LBB2_19:
0x28b: {  	v12 =	vld [tilespmem:s23+$0x0];
	vm4 =	vlt.u32 v11, $0x8000;
	v11 =	vand.u32 $0xFFFFFF80, v11;
	v13 =	vsub.s32 v8, v0  }
0x28c: {  	v8 =	vand.u32 $0x7F, v8;
	v14 =	vld [tilespmem:s23+$0xFFFFFF80];
	v10 =	vor.u32 v10, v11;
	[tilespmem:v9+s4+$0x0] =	vst.idx.msk vm3, v2;
	v9 =	vand.u32 $0xFFFFFF80, v13  }
0x28d: {  	vm3 =	vlt.u32 v13, $0x8000;
	v11 =	vld [tilespmem:s22+$0x20];
	v8 =	vor.u32 v8, v9;
	[tilespmem:v7+s4+$0x0] =	vst.idx.msk vm2, v2;
	v7 =	vsub.s32 v5, v0  }
0x28e: {  	v5 =	vand.u32 $0x7F, v5;
	v9 =	vld [tilespmem:s21+$0x40];
	vm2 =	vlt.u32 v7, $0x8000;
	v7 =	vand.u32 $0xFFFFFF80, v7;
	[tilespmem:v3+s4+$0x0] =	vst.idx.msk vm0, v2  }
0x28f: {  	v3 =	vor.u32 v5, v7;
	[tilespmem:v6+s4+$0x0] =	vst.idx.msk vm1, v2;
	v5 =	vsub.s32 v4, v0;
	v4 =	vand.u32 $0x7F, v4  }
0x290: {  	v6 =	vsub.s32 v12, v0;
	v7 =	vld [tilespmem:s20+$0x60];
	vm0 =	vlt.u32 v5, $0x8000;
	v5 =	vand.u32 $0xFFFFFF80, v5  }
0x291: {  	v12 =	vand.u32 $0x7F, v12;
	vm1 =	vlt.u32 v6, $0x8000;
	v6 =	vand.u32 $0xFFFFFF80, v6;
	[tilespmem:v10+s4+$0x0] =	vst.idx.msk vm4, v2  }
0x292: {  	v6 =	vor.u32 v12, v6;
	v10 =	vld [tilespmem:s22+$0xFFFFFFA0];
	v12 =	vsub.s32 v11, v0;
	v11 =	vand.u32 $0x7F, v11  }
0x293: {  	s24 =	sadd.s32 $0x100, s24;
	vm4 =	vlt.u32 v12, $0x8000;
	v12 =	vand.u32 $0xFFFFFF80, v12;
	[tilespmem:v8+s4+$0x0] =	vst.idx.msk vm3, v2;
	v8 =	vsub.s32 v9, v0  }
0x294: {  	p0 =	slt.u32 s24, $0x800;
	v9 =	vand.u32 $0x7F, v9;
	v11 =	vor.u32 v11, v12;
	v12 =	vld [tilespmem:s21+$0xFFFFFFC0];
	v13 =	vand.u32 $0xFFFFFF80, v8;
	[tilespmem:v3+s4+$0x0] =	vst.idx.msk vm2, v2  }
0x295: {  	vm3 =	vlt.u32 v8, $0x8000;
	v3 =	vor.u32 v9, v13;
	v8 =	vld [tilespmem:s20+$0xFFFFFFE0];
	v9 =	vsub.s32 v7, v0  }
0x296: {  	v7 =	vand.u32 $0x7F, v7;
	vm2 =	vlt.u32 v9, $0x8000;
	v9 =	vand.u32 $0xFFFFFF80, v9  }
0x297: {  	v13 =	vsub.s32 v14, v0;
	v14 =	vand.u32 $0x7F, v14;
	v7 =	vor.u32 v7, v9  }
0x298: {  	vm5 =	vlt.u32 v13, $0x8000;
	v9 =	vand.u32 $0xFFFFFF80, v13;
	[tilespmem:v6+s4+$0x0] =	vst.idx.msk vm1, v2;
	v6 =	vsub.s32 v10, v0  }
0x299: {  	v9 =	vor.u32 v14, v9;
	v10 =	vand.u32 $0x7F, v10;
	v13 =	vld [tilespmem:s23+$0x10];
	v14 =	vand.u32 $0xFFFFFF80, v6;
	[tilespmem:v11+s4+$0x0] =	vst.idx.msk vm4, v2  }
0x29a: {  	vm4 =	vlt.u32 v6, $0x8000;
	v11 =	vsub.s32 v12, v0;
	v6 =	vor.u32 v10, v14;
	v10 =	vld [tilespmem:s22+$0x30]  }
0x29b: {  	v12 =	vand.u32 $0x7F, v12;
	vm1 =	vlt.u32 v11, $0x8000;
	v11 =	vand.u32 $0xFFFFFF80, v11;
	[tilespmem:v3+s4+$0x0] =	vst.idx.msk vm3, v2  }
0x29c: {  	v3 =	vor.u32 v12, v11;
	v12 =	vsub.s32 v8, v0;
	v8 =	vand.u32 $0x7F, v8;
	v11 =	vld [tilespmem:s21+$0x50];
	[tilespmem:v7+s4+$0x0] =	vst.idx.msk vm2, v2  }
0x29d: {  	v4 =	vor.u32 v4, v5;
	vm6 =	vlt.u32 v12, $0x8000;
	v7 =	vand.u32 $0xFFFFFF80, v12;
	v12 =	vld [tilespmem:s20+$0x70]  }
0x29e: {  	v14 =	vor.u32 v8, v7;
	[tilespmem:v9+s4+$0x0] =	vst.idx.msk vm5, v2;
	v5 =	vsub.s32 v13, v0  }
0x29f: {  	v7 =	vand.u32 $0x7F, v13;
	v15 =	vld [tilespmem:s23+$0xFFFFFF90];
	vm3 =	vlt.u32 v5, $0x8000;
	v13 =	vsub.s32 v10, v0  }
0x2a0: {  	v5 =	vand.u32 $0xFFFFFF80, v5;
	v10 =	vand.u32 $0x7F, v10;
	[tilespmem:v6+s4+$0x0] =	vst.idx.msk vm4, v2;
	v6 =	vand.u32 $0xFFFFFF80, v13  }
.Ltmp8:
0x2a1: {  	v9 =	vor.u32 v7, v5;
	vm2 =	vlt.u32 v13, $0x8000;
	v8 =	vld [tilespmem:s22+$0xFFFFFFB0];
	v7 =	vor.u32 v10, v6;
	[tilespmem:v3+s4+$0x0] =	vst.idx.msk vm1, v2;
	(pc) =	sbr.rel @p0 .LBB2_19-.Ltmp8, $4  }
0x2a2: {  	v3 =	vsub.s32 v11, v0;
	v6 =	vand.u32 $0x7F, v11;
	v5 =	vld [tilespmem:s21+$0xFFFFFFD0];
	v10 =	vsub.s32 v12, v0;
	[tilespmem:v4+s4+$0x0] =	vst.idx.msk vm0, v2  }
0x2a3: {  	v11 =	vand.u32 $0x7F, v12;
	[tilespmem:v14+s4+$0x0] =	vst.idx.msk vm6, v2;
	vm0 =	vlt.u32 v10, $0x8000;
	v10 =	vand.u32 $0xFFFFFF80, v10  }
0x2a4: {  	vm1 =	vlt.u32 v3, $0x8000;
	v12 =	vand.u32 $0xFFFFFF80, v3;
	v4 =	vld [tilespmem:s20+$0xFFFFFFF0];
	v3 =	vor.u32 v11, v10;
	s20 =	smov.u32 s21;
	s21 =	smov.u32 s22;
	s22 =	smov.u32 s23  }
0x2a5: {  	v6 =	vor.u32 v6, v12;
	v11 =	vsub.s32 v15, v0;
	v10 =	vand.u32 $0x7F, v15;
	s23 =	sadd.s32 $0x100, s23  }
0x2a6: {  	_ = 	snop  }
0x2a7: {  	vm4 =	vlt.u32 v11, $0x8000;
	v39 =	vand.u32 $0xFFFFFF80, v11  }
0x2a8: {  	v10 =	vor.u32 v10, v39;
	_ =	sdelay $0x2  }
0x2a9: {  	[tilespmem:v9+s4+$0x0] =	vst.idx.msk vm3, v2  }
0x2aa: {  	v9 =	vld [tilespmem:s22+$0x20]  }
0x2ab: {  	[tilespmem:v10+s4+$0x0] =	vst.idx.msk vm4, v2  }
0x2ac: {  	v10 =	vld [tilespmem:s22+$0xFFFFFFA0];
	_ =	sdelay $0x2  }
0x2ad: {  	v40 =	vsub.s32 v9, v0  }
0x2ae: {  	v9 =	vand.u32 $0x7F, v9;
	vm12 =	vlt.u32 v40, $0x8000;
	v11 =	vand.u32 $0xFFFFFF80, v40  }
0x2af: {  	v9 =	vor.u32 v9, v11;
	v41 =	vsub.s32 v10, v0  }
0x2b0: {  	v10 =	vand.u32 $0x7F, v10;
	v12 =	vand.u32 $0xFFFFFF80, v41;
	vm13 =	vlt.u32 v41, $0x8000  }
0x2b1: {  	v10 =	vor.u32 v10, v12;
	_ =	sdelay $0x2  }
0x2b2: {  	[tilespmem:v9+s4+$0x0] =	vst.idx.msk vm12, v2  }
0x2b3: {  	v9 =	vld [tilespmem:s22+$0x30]  }
0x2b4: {  	[tilespmem:v10+s4+$0x0] =	vst.idx.msk vm13, v2  }
0x2b5: {  	v10 =	vld [tilespmem:s22+$0xFFFFFFB0]  }
0x2b6: {  	v42 =	vsub.s32 v8, v0  }
0x2b7: {  	v44 =	vand.u32 $0x7F, v8;
	v43 =	vand.u32 $0xFFFFFF80, v42;
	vm14 =	vlt.u32 v42, $0x8000  }
0x2b8: {  	v8 =	vor.u32 v44, v43;
	v45 =	vsub.s32 v9, v0  }
0x2b9: {  	v9 =	vand.u32 $0x7F, v9;
	v46 =	vand.u32 $0xFFFFFF80, v45;
	vm15 =	vlt.u32 v45, $0x8000  }
0x2ba: {  	v9 =	vor.u32 v9, v46;
	v47 =	vsub.s32 v10, v0  }
0x2bb: {  	[tilespmem:v7+s4+$0x0] =	vst.idx.msk vm2, v2;
	v10 =	vand.u32 $0x7F, v10;
	v48 =	vand.u32 $0xFFFFFF80, v47;
	vm7 =	vlt.u32 v47, $0x8000  }
0x2bc: {  	v49 =	vld [tilespmem:s21+$0x40];
	v7 =	vor.u32 v10, v48  }
0x2bd: {  	[tilespmem:v8+s4+$0x0] =	vst.idx.msk vm14, v2  }
0x2be: {  	v8 =	vld [tilespmem:s21+$0xFFFFFFC0]  }
0x2bf: {  	[tilespmem:v9+s4+$0x0] =	vst.idx.msk vm15, v2  }
0x2c0: {  	v9 =	vld [tilespmem:s22+$0x40]  }
0x2c1: {  	v50 =	vsub.s32 v49, v0;
	[tilespmem:v7+s4+$0x0] =	vst.idx.msk vm7, v2  }
0x2c2: {  	v51 =	vand.u32 $0xFFFFFF80, v50;
	vm8 =	vlt.u32 v50, $0x8000;
	v11 =	vand.u32 $0x7F, v49;
	v52 =	vld [tilespmem:s22+$0xFFFFFFC0]  }
0x2c3: {  	v53 =	vsub.s32 v8, v0;
	v7 =	vor.u32 v11, v51  }
0x2c4: {  	v8 =	vand.u32 $0x7F, v8;
	vm9 =	vlt.u32 v53, $0x8000;
	v11 =	vand.u32 $0xFFFFFF80, v53  }
0x2c5: {  	v54 =	vsub.s32 v9, v0;
	v8 =	vor.u32 v8, v11  }
0x2c6: {  	v9 =	vand.u32 $0x7F, v9;
	v55 =	vand.u32 $0xFFFFFF80, v54;
	vm10 =	vlt.u32 v54, $0x8000  }
0x2c7: {  	v9 =	vor.u32 v9, v55;
	v56 =	vsub.s32 v52, v0  }
0x2c8: {  	[tilespmem:v7+s4+$0x0] =	vst.idx.msk vm8, v2;
	v10 =	vand.u32 $0x7F, v52;
	vm11 =	vlt.u32 v56, $0x8000;
	v57 =	vand.u32 $0xFFFFFF80, v56  }
0x2c9: {  	v58 =	vld [tilespmem:s21+$0x50];
	v7 =	vor.u32 v10, v57  }
0x2ca: {  	[tilespmem:v8+s4+$0x0] =	vst.idx.msk vm9, v2  }
0x2cb: {  	v8 =	vld [tilespmem:s21+$0xFFFFFFD0]  }
0x2cc: {  	v59 =	vsub.s32 v5, v0;
	[tilespmem:v9+s4+$0x0] =	vst.idx.msk vm10, v2  }
0x2cd: {  	v61 =	vand.u32 $0x7F, v5;
	v60 =	vand.u32 $0xFFFFFF80, v59;
	vm12 =	vlt.u32 v59, $0x8000;
	v62 =	vld [tilespmem:s22+$0x50]  }
0x2ce: {  	v5 =	vor.u32 v61, v60;
	v63 =	vsub.s32 v58, v0;
	[tilespmem:v7+s4+$0x0] =	vst.idx.msk vm11, v2  }
0x2cf: {  	v13 =	vand.u32 $0x7F, v58;
	vm13 =	vlt.u32 v63, $0x8000;
	v9 =	vand.u32 $0xFFFFFF80, v63;
	v14 =	vld [tilespmem:s22+$0xFFFFFFD0]  }
0x2d0: {  	v15 =	vsub.s32 v8, v0;
	v7 =	vor.u32 v13, v9  }
0x2d1: {  	v8 =	vand.u32 $0x7F, v8;
	vm14 =	vlt.u32 v15, $0x8000;
	v9 =	vand.u32 $0xFFFFFF80, v15  }
0x2d2: {  	[tilespmem:v6+s4+$0x0] =	vst.idx.msk vm1, v2;
	v17 =	vsub.s32 v62, v0;
	v16 =	vor.u32 v8, v9  }
0x2d3: {  	v18 =	vld [tilespmem:s20+$0x60];
	[tilespmem:v5+s4+$0x0] =	vst.idx.msk vm12, v2;
	v19 =	vand.u32 $0x7F, v62;
	vm15 =	vlt.u32 v17, $0x8000;
	v8 =	vand.u32 $0xFFFFFF80, v17  }
0x2d4: {  	v22 =	vld [tilespmem:s20+$0xFFFFFFE0];
	v20 =	vor.u32 v19, v8;
	v21 =	vsub.s32 v14, v0  }
0x2d5: {  	[tilespmem:v7+s4+$0x0] =	vst.idx.msk vm13, v2;
	v24 =	vand.u32 $0x7F, v14;
	vm6 =	vlt.u32 v21, $0x8000;
	v23 =	vand.u32 $0xFFFFFF80, v21  }
0x2d6: {  	v25 =	vld [tilespmem:s21+$0x60];
	v7 =	vor.u32 v24, v23  }
0x2d7: {  	[tilespmem:v16+s4+$0x0] =	vst.idx.msk vm14, v2  }
0x2d8: {  	v26 =	vsub.s32 v18, v0;
	v27 =	vld [tilespmem:s21+$0xFFFFFFE0]  }
0x2d9: {  	v6 =	vand.u32 $0xFFFFFF80, v26;
	v29 =	vsub.s32 v22, v0;
	v30 =	vand.u32 $0x7F, v22;
	[tilespmem:v20+s4+$0x0] =	vst.idx.msk vm15, v2  }
0x2da: {  	vm7 =	vlt.u32 v26, $0x8000;
	vm8 =	vlt.u32 v29, $0x8000;
	v9 =	vand.u32 $0x7F, v18;
	v31 =	vld [tilespmem:s22+$0x60]  }
0x2db: {  	v28 =	vor.u32 v9, v6;
	v6 =	vand.u32 $0xFFFFFF80, v29;
	v32 =	vsub.s32 v25, v0;
	[tilespmem:v7+s4+$0x0] =	vst.idx.msk vm6, v2  }
0x2dc: {  	v6 =	vor.u32 v30, v6;
	v10 =	vand.u32 $0x7F, v25;
	vm9 =	vlt.u32 v32, $0x8000;
	v7 =	vld [tilespmem:s22+$0xFFFFFFE0]  }
0x2dd: {  	v33 =	vand.u32 $0xFFFFFF80, v32;
	v34 =	vsub.s32 v27, v0;
	v8 =	vand.u32 $0x7F, v27  }
0x2de: {  	v9 =	vor.u32 v10, v33;
	v35 =	vand.u32 $0xFFFFFF80, v34;
	vm10 =	vlt.u32 v34, $0x8000  }
0x2df: {  	v37 =	vsub.s32 v31, v0;
	v36 =	vor.u32 v8, v35  }
0x2e0: {  	[tilespmem:v28+s4+$0x0] =	vst.idx.msk vm7, v2;
	v11 =	vand.u32 $0x7F, v31;
	vm11 =	vlt.u32 v37, $0x8000;
	v8 =	vand.u32 $0xFFFFFF80, v37  }
0x2e1: {  	v38 =	vld [tilespmem:s20+$0x70];
	[tilespmem:v6+s4+$0x0] =	vst.idx.msk vm8, v2;
	v39 =	vor.u32 v11, v8;
	v40 =	vsub.s32 v7, v0  }
0x2e2: {  	v41 =	vld [tilespmem:s20+$0xFFFFFFF0];
	v7 =	vand.u32 $0x7F, v7;
	vm5 =	vlt.u32 v40, $0x8000;
	v8 =	vand.u32 $0xFFFFFF80, v40  }
0x2e3: {  	v42 =	vsub.s32 v4, v0;
	[tilespmem:v9+s4+$0x0] =	vst.idx.msk vm9, v2;
	v7 =	vor.u32 v7, v8  }
0x2e4: {  	v43 =	vand.u32 $0x7F, v4;
	v44 =	vand.u32 $0xFFFFFF80, v42;
	v9 =	vld [tilespmem:s21+$0x70];
	[tilespmem:v36+s4+$0x0] =	vst.idx.msk vm10, v2  }
0x2e5: {  	v4 =	vor.u32 v43, v44;
	v46 =	vld [tilespmem:s21+$0xFFFFFFF0]  }
0x2e6: {  	vm12 =	vlt.u32 v42, $0x8000;
	v45 =	vsub.s32 v38, v0;
	v47 =	vand.u32 $0x7F, v38;
	[tilespmem:v39+s4+$0x0] =	vst.idx.msk vm11, v2  }
0x2e7: {  	vm13 =	vlt.u32 v45, $0x8000;
	v5 =	vand.u32 $0xFFFFFF80, v45;
	v48 =	vsub.s32 v41, v0;
	v49 =	vld [tilespmem:s22+$0x70]  }
0x2e8: {  	v50 =	vand.u32 $0x7F, v41;
	v5 =	vor.u32 v47, v5;
	v51 =	vand.u32 $0xFFFFFF80, v48;
	[tilespmem:v7+s4+$0x0] =	vst.idx.msk vm5, v2  }
0x2e9: {  	vm14 =	vlt.u32 v48, $0x8000;
	v6 =	vor.u32 v50, v51;
	v52 =	vsub.s32 v9, v0;
	v53 =	vld [tilespmem:s22+$0xFFFFFFF0]  }
0x2ea: {  	v9 =	vand.u32 $0x7F, v9;
	vm15 =	vlt.u32 v52, $0x8000;
	v54 =	vsub.s32 v46, v0  }
0x2eb: {  	v8 =	vand.u32 $0x7F, v46;
	v7 =	vand.u32 $0xFFFFFF80, v52;
	vm8 =	vlt.u32 v54, $0x8000  }
0x2ec: {  	v55 =	vsub.s32 v49, v0;
	v12 =	vand.u32 $0x7F, v49;
	v7 =	vor.u32 v9, v7  }
0x2ed: {  	[tilespmem:v3+s4+$0x0] =	vst.idx.msk vm0, v2;
	v9 =	vand.u32 $0xFFFFFF80, v54;
	v56 =	vand.u32 $0xFFFFFF80, v55;
	vm9 =	vlt.u32 v55, $0x8000  }
0x2ee: {  	v8 =	vor.u32 v8, v9;
	v3 =	vor.u32 v12, v56;
	v57 =	vsub.s32 v53, v0  }
0x2ef: {  	[tilespmem:v4+s4+$0x0] =	vst.idx.msk vm12, v2;
	v58 =	vand.u32 $0x7F, v53;
	vm10 =	vlt.u32 v57, $0x8000;
	v9 =	vand.u32 $0xFFFFFF80, v57  }
0x2f0: {  	[tilespmem:v5+s4+$0x0] =	vst.idx.msk vm13, v2;
	v4 =	vor.u32 v58, v9  }
0x2f1: {  	[tilespmem:v6+s4+$0x0] =	vst.idx.msk vm14, v2  }
0x2f2: {  	[tilespmem:v7+s4+$0x0] =	vst.idx.msk vm15, v2  }
0x2f3: {  	[tilespmem:v8+s4+$0x0] =	vst.idx.msk vm8, v2  }
0x2f4: {  	[tilespmem:v3+s4+$0x0] =	vst.idx.msk vm9, v2  }
0x2f5: {  	[tilespmem:v4+s4+$0x0] =	vst.idx.msk vm10, v2  }
0x2f6: {  	v3 =	vld [tilespmem:$0xA800];
	_ =	sdelay $0x4  }
0x2f7: {  	v59 =	vsub.s32 v3, v0  }
0x2f8: {  	v3 =	vand.u32 $0x7F, v3;
	vm11 =	vlt.u32 v59, $0x8000;
	v4 =	vand.u32 $0xFFFFFF80, v59  }
0x2f9: {  	v3 =	vor.u32 v3, v4;
	_ =	sdelay $0x3  }
0x2fa: {  	s20 =	simm.s32 $0x0  }
0x2fb: {  	[tilespmem:v3+s20+$0x0] =	vst.idx.msk vm11, v2  }
0x2fc: {  	v3 =	vld [tilespmem:$0xA810];
	_ =	sdelay $0x4  }
0x2fd: {  	v60 =	vsub.s32 v3, v0  }
0x2fe: {  	v3 =	vand.u32 $0x7F, v3;
	vm12 =	vlt.u32 v60, $0x8000;
	v4 =	vand.u32 $0xFFFFFF80, v60  }
0x2ff: {  	v3 =	vor.u32 v3, v4;
	_ =	sdelay $0x4  }
0x300: {  	[tilespmem:v3+s20+$0x0] =	vst.idx.msk vm12, v2  }
0x301: {  	v3 =	vld [tilespmem:$0xA820];
	_ =	sdelay $0x4  }
0x302: {  	v61 =	vsub.s32 v3, v0  }
0x303: {  	v3 =	vand.u32 $0x7F, v3;
	vm13 =	vlt.u32 v61, $0x8000;
	v4 =	vand.u32 $0xFFFFFF80, v61  }
0x304: {  	v3 =	vor.u32 v3, v4;
	_ =	sdelay $0x4  }
0x305: {  	[tilespmem:v3+s20+$0x0] =	vst.idx.msk vm13, v2  }
0x306: {  	v3 =	vld [tilespmem:$0xA830];
	_ =	sdelay $0x4  }
0x307: {  	v62 =	vsub.s32 v3, v0  }
0x308: {  	v3 =	vand.u32 $0x7F, v3;
	vm14 =	vlt.u32 v62, $0x8000;
	v4 =	vand.u32 $0xFFFFFF80, v62  }
0x309: {  	v3 =	vor.u32 v3, v4;
	_ =	sdelay $0x4  }
0x30a: {  	[tilespmem:v3+s20+$0x0] =	vst.idx.msk vm14, v2  }
0x30b: {  	v3 =	vld [tilespmem:$0xA840];
	_ =	sdelay $0x4  }
0x30c: {  	v63 =	vsub.s32 v3, v0  }
0x30d: {  	s19 =	sadd.s32 $0x1, s19;
	v3 =	vand.u32 $0x7F, v3;
	vm15 =	vlt.u32 v63, $0x8000;
	v4 =	vand.u32 $0xFFFFFF80, v63  }
0x30e: {  	p0 =	sne.s32 s19, $0x6;
	v3 =	vor.u32 v3, v4  }
.Ltmp9:
0x30f: {  	_ = 	snop;
	(pc) =	sbr.rel @p0 .LBB2_4-.Ltmp9, $2  }
0x310: {  	_ =	sdelay $0x2  }
0x311: {  	[tilespmem:v3+s20+$0x0] =	vst.idx.msk vm15, v2  }
0x312: {  	s19 =	sand.u32 $0xC00, s20  }
0x313: {  	s21 =	sand.u32 $0x70, s20;
	s19 =	sadd.s32 s19, s6  }
0x314: {  	s19 =	sadd.s32 s21, s19  }
0x315: {  	[hbm4b:s19+s11] =	stream.strided.scatter [tilespmem:s20], [sflag:$0x1], $0x400, s12, s11, $0x38;
	[tilespmem:$0xAD00] =	vst v63  }
0x316: {  	s21 =	sadd.s32 $0x10, s20;
	s19 =	sadd.s32 $0x80, s20  }
.LBB2_22:
0x317: {  	s22 =	sand.u32 $0xC00, s19;
	p0 =	sne.s32 s19, $0xF80;
	s19 =	sadd.s32 $0x80, s19  }
.Ltmp10:
0x318: {  	s23 =	sand.u32 $0x70, s21;
	s22 =	sadd.s32 s22, s6;
	(pc) =	sbr.rel @p0 .LBB2_22-.Ltmp10, $4  }
0x319: {  	s20 =	sadd.s32 $0x400, s20;
	s22 =	sadd.s32 s23, s22  }
0x31a: {  	[hbm4b:s22+s11] =	stream.strided.scatter [tilespmem:s20], [sflag:$0x1], $0x400, s12, s11, $0x38;
	[tilespmem:$0xAD00] =	vst v63  }
0x31b: {  	_ = 	snop  }
0x31c: {  	s21 =	sadd.s32 $0x10, s21  }
0x31d: {  	s20 =	simm.s32 $0x0  }
0x31e: {  	v2 =	vld [tilespmem:s20+$0x0]  }
0x31f: {  	v4 =	vld [tilespmem:s20+$0x10]  }
0x320: {  	v3 =	vld [tilespmem:s20+$0x20]  }
0x321: {  	v6 =	vimm.f32 $0.0e+00;
	s19 =	simm.s32 $0x100;
	v7 =	vimm.f32 $0.0e+00;
	v5 =	vld [tilespmem:s20+$0x30]  }
.LBB2_24:
0x322: {  	p0 =	sne.s32 s19, $0x1FF00  }
.Ltmp11:
0x323: {  	s20 =	sshra.s32 s19, $0x2;
	(pc) =	sbr.rel @p0 .LBB2_24-.Ltmp11, $4  }
0x324: {  	s19 =	sadd.s32 $0x100, s19;
	v6 =	vadd.f32 v2, v6;
	v2 =	vld [tilespmem:s20+$0x0];
	v7 =	vadd.f32 v4, v7  }
0x325: {  	v4 =	vld [tilespmem:s20+$0x10]  }
0x326: {  	v6 =	vadd.f32 v3, v6;
	v3 =	vld [tilespmem:s20+$0x20];
	v7 =	vadd.f32 v5, v7  }
0x327: {  	v5 =	vld [tilespmem:s20+$0x30]  }
0x328: {  	_ =	sdelay $0x1  }
0x329: {  	v2 =	vadd.f32 v2, v6;
	v4 =	vadd.f32 v4, v7;
	_ =	sdelay $0x1  }
0x32a: {  	v2 =	vadd.f32 v3, v2;
	v3 =	vadd.f32 v5, v4;
	_ =	sdelay $0x1  }
0x32b: {  	v2 =	vadd.f32 v3, v2;
	_ =	sdelay $0x1  }
0x32c: {  	[tilespmem:$0xAC80] =	vst v2  }
0x32d: {  	[hbm4b:s7+s4] =	stream.linear.scatter [tilespmem:s16], [sflag:$0x4], $0x80, $0x38;
	[tilespmem:$0xAD00] =	vst v63  }
0x32e: {  	_ =	swait.ge [sflag:s17], $0x80  }
0x32f: {  	[sflag:s17] =	ssyncset.done $0x0  }
0x330: {  	[sflag:s17] =	ssyncadd.s32 $0xFFFFFF80  }
0x331: {  	_ =	swait.ge [sflag:s14], $0x400  }
0x332: {  	[sflag:s14] =	ssyncset.done $0x0  }
0x333: {  	[sflag:s14] =	ssyncadd.s32 $0xFFFFFC00  }
0x334: {  	_ =	swait.ge [sflag:s14], $0x400  }
0x335: {  	[sflag:s14] =	ssyncset.done $0x0  }
0x336: {  	[sflag:s14] =	ssyncadd.s32 $0xFFFFFC00  }
0x337: {  	_ =	swait.ge [sflag:s14], $0x400  }
0x338: {  	[sflag:s14] =	ssyncset.done $0x0  }
0x339: {  	[sflag:s14] =	ssyncadd.s32 $0xFFFFFC00  }
0x33a: {  	_ =	swait.ge [sflag:s14], $0x400  }
0x33b: {  	[sflag:s14] =	ssyncset.done $0x0  }
0x33c: {  	[sflag:s14] =	ssyncadd.s32 $0xFFFFFC00  }
0x33d: {  	_ =	swait.ge [sflag:s14], $0x400  }
0x33e: {  	[sflag:s14] =	ssyncset.done $0x0  }
0x33f: {  	[sflag:s14] =	ssyncadd.s32 $0xFFFFFC00  }
0x340: {  	_ =	swait.ge [sflag:s14], $0x400  }
0x341: {  	[sflag:s14] =	ssyncset.done $0x0  }
0x342: {  	[sflag:s14] =	ssyncadd.s32 $0xFFFFFC00  }
0x343: {  	_ =	swait.ge [sflag:s14], $0x400  }
0x344: {  	[sflag:s14] =	ssyncset.done $0x0  }
0x345: {  	[sflag:s14] =	ssyncadd.s32 $0xFFFFFC00  }
0x346: {  	_ =	swait.ge [sflag:s14], $0x400  }
0x347: {  	[sflag:s14] =	ssyncset.done $0x0  }
0x348: {  	[sflag:s14] =	ssyncadd.s32 $0xFFFFFC00  }
0x349: {  	_ =	swait.ge [sflag:s14], $0x400  }
0x34a: {  	[sflag:s14] =	ssyncset.done $0x0  }
0x34b: {  	[sflag:s14] =	ssyncadd.s32 $0xFFFFFC00  }
0x34c: {  	_ =	swait.ge [sflag:s14], $0x400  }
0x34d: {  	[sflag:s14] =	ssyncset.done $0x0  }
0x34e: {  	[sflag:s14] =	ssyncadd.s32 $0xFFFFFC00  }
0x34f: {  	_ =	swait.ge [sflag:s14], $0x400  }
0x350: {  	[sflag:s14] =	ssyncset.done $0x0  }
0x351: {  	[sflag:s14] =	ssyncadd.s32 $0xFFFFFC00  }
0x352: {  	_ =	swait.ge [sflag:s14], $0x400  }
0x353: {  	[sflag:s14] =	ssyncset.done $0x0  }
0x354: {  	[sflag:s14] =	ssyncadd.s32 $0xFFFFFC00  }
0x355: {  	_ =	swait.ge [sflag:s14], $0x400  }
0x356: {  	[sflag:s14] =	ssyncset.done $0x0  }
0x357: {  	[sflag:s14] =	ssyncadd.s32 $0xFFFFFC00  }
0x358: {  	_ =	swait.ge [sflag:s14], $0x400  }
0x359: {  	[sflag:s14] =	ssyncset.done $0x0  }
0x35a: {  	[sflag:s14] =	ssyncadd.s32 $0xFFFFFC00  }
0x35b: {  	_ =	swait.ge [sflag:s14], $0x400  }
0x35c: {  	[sflag:s14] =	ssyncset.done $0x0  }
0x35d: {  	[sflag:s14] =	ssyncadd.s32 $0xFFFFFC00  }
0x35e: {  	_ =	swait.ge [sflag:s14], $0x400  }
0x35f: {  	[sflag:s14] =	ssyncset.done $0x0  }
0x360: {  	[sflag:s14] =	ssyncadd.s32 $0xFFFFFC00  }
0x361: {  	_ =	swait.ge [sflag:s14], $0x400  }
0x362: {  	[sflag:s14] =	ssyncset.done $0x0  }
0x363: {  	[sflag:s14] =	ssyncadd.s32 $0xFFFFFC00  }
0x364: {  	_ =	swait.ge [sflag:s14], $0x400  }
0x365: {  	[sflag:s14] =	ssyncset.done $0x0  }
0x366: {  	[sflag:s14] =	ssyncadd.s32 $0xFFFFFC00  }
0x367: {  	_ =	swait.ge [sflag:s14], $0x400  }
0x368: {  	[sflag:s14] =	ssyncset.done $0x0  }
0x369: {  	[sflag:s14] =	ssyncadd.s32 $0xFFFFFC00  }
0x36a: {  	_ =	swait.ge [sflag:s14], $0x400  }
0x36b: {  	[sflag:s14] =	ssyncset.done $0x0  }
0x36c: {  	[sflag:s14] =	ssyncadd.s32 $0xFFFFFC00  }
0x36d: {  	_ =	swait.ge [sflag:s14], $0x400  }
0x36e: {  	[sflag:s14] =	ssyncset.done $0x0  }
0x36f: {  	[sflag:s14] =	ssyncadd.s32 $0xFFFFFC00  }
0x370: {  	_ =	swait.ge [sflag:s14], $0x400  }
0x371: {  	[sflag:s14] =	ssyncset.done $0x0  }
0x372: {  	[sflag:s14] =	ssyncadd.s32 $0xFFFFFC00  }
0x373: {  	_ =	swait.ge [sflag:s14], $0x400  }
0x374: {  	[sflag:s14] =	ssyncset.done $0x0  }
0x375: {  	[sflag:s14] =	ssyncadd.s32 $0xFFFFFC00  }
0x376: {  	_ =	swait.ge [sflag:s14], $0x400  }
0x377: {  	[sflag:s14] =	ssyncset.done $0x0  }
0x378: {  	[sflag:s14] =	ssyncadd.s32 $0xFFFFFC00  }
0x379: {  	_ =	swait.ge [sflag:s14], $0x400  }
0x37a: {  	[sflag:s14] =	ssyncset.done $0x0  }
0x37b: {  	[sflag:s14] =	ssyncadd.s32 $0xFFFFFC00  }
0x37c: {  	_ =	swait.ge [sflag:s14], $0x400  }
0x37d: {  	[sflag:s14] =	ssyncset.done $0x0  }
0x37e: {  	[sflag:s14] =	ssyncadd.s32 $0xFFFFFC00  }
0x37f: {  	_ =	swait.ge [sflag:s14], $0x400  }
0x380: {  	[sflag:s14] =	ssyncset.done $0x0  }
0x381: {  	[sflag:s14] =	ssyncadd.s32 $0xFFFFFC00  }
0x382: {  	_ =	swait.ge [sflag:s14], $0x400  }
0x383: {  	[sflag:s14] =	ssyncset.done $0x0  }
0x384: {  	[sflag:s14] =	ssyncadd.s32 $0xFFFFFC00  }
0x385: {  	_ =	swait.ge [sflag:s14], $0x400  }
0x386: {  	[sflag:s14] =	ssyncset.done $0x0  }
0x387: {  	[sflag:s14] =	ssyncadd.s32 $0xFFFFFC00  }
0x388: {  	_ =	swait.ge [sflag:s14], $0x400  }
0x389: {  	[sflag:s14] =	ssyncset.done $0x0  }
0x38a: {  	s18 =	sadd.s32 $0x1, s18;
	[sflag:s14] =	ssyncadd.s32 $0xFFFFFC00  }
0x38b: {  	p0 =	sne.s32 s18, s8;
	_ =	swait.ge [sflag:s14], $0x400  }
.Ltmp12:
0x38c: {  	[sflag:s14] =	ssyncset.done $0x0;
	(pc) =	sbr.rel @p0 .LBB2_1-.Ltmp12, $4  }
0x38d: {  	[sflag:s14] =	ssyncadd.s32 $0xFFFFFC00  }
0x38e: {  	_ =	swait.ge [sflag:s14], $0x400  }
0x38f: {  	[sflag:s14] =	ssyncset.done $0x0  }
0x390: {  	[sflag:s14] =	ssyncadd.s32 $0xFFFFFC00  }
0x391: {  	_ =	sfence.sel $0x180000  }
0x392: {  	[bflag:$0x0] =	sbarrier.arrive $0xFFFF  }
0x393: {  	p0 =	sne.s32 s3, $0x0;
	_ =	strace $0x90000047  }
0x394: {  	s0 =	sadd.s32 @!p0 $0x100000, s0;
	[bflag:$0x2] =	sbarrier.arrive $0xFFFF  }
0x395: {  	[sflag:s0] =	ssyncadd.tile.s32 @!p0 $0x1;
	_ =	shalt  }
.Lfunc_end2:
_tile_overlayer_lowered:
.L_overlay_start_2:
0x396: {  	(tag) =	ssettag $0x2  }
0x397: {  	s0 =	rddreg [dreg:$0x0];
	s2 =	stileid.u32  }
0x398: {  	s1 =	rddreg [dreg:$0x1];
	p0 =	sne.s32 s2, $0x0  }
0x399: {  	s3 =	rddreg [dreg:$0x2];
	[bflag:$0x3] =	sbarrier.arrive $0xFFFF;
	s2 =	simm.s32 @!p0 $0x1C04  }
0x39a: {  	[timem:s3], [sflag:s2] =	dma.local @!p0 [hbm:s0], s1  }
0x39b: {  	s0 =	simm.s32 @!p0 $0x4  }
0x39c: {  	_ =	swait.ge @!p0 [sflag:s0], s1  }
0x39d: {  	s1 =	ssub.s32 @!p0 $0x0, s1;
	[sflag:s0] =	ssyncset.done @!p0 $0x0  }
0x39e: {  	[sflag:s0] =	ssyncadd.s32 @!p0 s1  }
0x39f: {  	[bflag:$0x3] =	sbarrier.arrive $0xFFFF  }
0x3a0: {  	_ =	shalt  }

</sc_bundles>
